<compile_context>
chip_gen: v7x
topology: tpu7x:2x2x1
jax: 0.10.2.dev20260603
libtpu: 0.0.44.dev20260713+nightly
codegen_flags: <defaults>
</compile_context>

<pallas_src>
import functools
import jax
import jax.numpy as jnp
from jax import lax
from jax.experimental import pallas as pl
from jax.experimental.pallas import tpu as pltpu
from jax.experimental.pallas import tpu_sc as plsc

N = 10000
D = 128
G = 16
E = 320000

NC = 2
NS = 16
NW = NC * NS
K = 128
CH = 80
CH2 = CH // 2
CH0 = 116
CH1 = 44
CHM2 = max(CH0, CH1) // 2
EPW = K * CH
EP = EPW * NW
NP = 10240
RPT = NP // NS

_mesh = plsc.VectorSubcoreMesh(core_axis_name="c", subcore_axis_name="s")



@functools.partial(
    pl.kernel,
    out_type=jax.ShapeDtypeStruct((NC * NP, D), jnp.float32),
    mesh=_mesh,
    scratch_types=[
        pltpu.VMEM((K,), jnp.int32),
        pltpu.VMEM((K, D), jnp.float32),
        pltpu.VMEM_SHARED((NP, D), jnp.float32),
    ],
)
def _deg_kernel(dst_hbm, out_hbm, dst_v, ones_v, acc_sh):
    c = lax.axis_index("c")
    s = lax.axis_index("s")
    wid = s * NC + c

    zero = jnp.zeros((16,), jnp.float32)

    def fill_zero_row(i, _):
        def fill_lane(j, _):
            ones_v[i, pl.ds(j * 16, 16)] = zero
            return 0
        lax.fori_loop(0, D // 16, fill_lane, 0)
        return 0
    lax.fori_loop(0, K, fill_zero_row, 0)

    def zero_acc(i, _):
        pltpu.sync_copy(ones_v, acc_sh.at[pl.ds(s * RPT + i * K, K)])
        return 0
    lax.fori_loop(0, RPT // K, zero_acc, 0)

    one = jnp.full((16,), 1.0, jnp.float32)

    def fill_one_row(i, _):
        def fill_lane(j, _):
            ones_v[i, pl.ds(j * 16, 16)] = one
            return 0
        lax.fori_loop(0, D // 16, fill_lane, 0)
        return 0
    lax.fori_loop(0, K, fill_one_row, 0)
    plsc.subcore_barrier()

    def body(i, _):
        base = pl.multiple_of(wid * EPW + i * K, 8)
        pltpu.sync_copy(dst_hbm.at[pl.ds(base, K)], dst_v)
        pltpu.sync_copy(ones_v, acc_sh.at[dst_v], add=True)
        return 0
    lax.fori_loop(0, CH, body, 0)

    plsc.subcore_barrier()

    def copy_out(i, _):
        pltpu.sync_copy(acc_sh.at[pl.ds(s * RPT + i * K, K)], ones_v)
        pltpu.sync_copy(ones_v, out_hbm.at[pl.ds(c * NP + s * RPT + i * K, K)])
        return 0
    lax.fori_loop(0, RPT // K, copy_out, 0)



@functools.partial(
    pl.kernel,
    out_type=jax.ShapeDtypeStruct((NC * NP, D), jnp.float32),
    mesh=_mesh,
    scratch_types=[
        pltpu.VMEM((K,), jnp.int32),
        pltpu.VMEM((K,), jnp.int32),
        pltpu.VMEM((K,), jnp.int32),
        pltpu.VMEM((K,), jnp.int32),
        pltpu.VMEM((K, D), jnp.float32),
        pltpu.VMEM((K, D), jnp.float32),
        pltpu.VMEM_SHARED((NP, D), jnp.float32),
        pltpu.SemaphoreType.DMA,
        pltpu.SemaphoreType.DMA,
    ],
)
def _agg_kernel(hp_hbm, src_hbm, dst_hbm, out_hbm,
                src_a, dst_a, src_b, dst_b, rows_a, rows_b, acc_sh, ga, gb):
    c = lax.axis_index("c")
    s = lax.axis_index("s")
    zero = jnp.zeros((16,), jnp.float32)

    def fill_zero_row(i, _):
        def fill_lane(j, _):
            rows_a[i, pl.ds(j * 16, 16)] = zero
            return 0
        lax.fori_loop(0, D // 16, fill_lane, 0)
        return 0
    lax.fori_loop(0, K, fill_zero_row, 0)

    def zero_acc(i, _):
        pltpu.sync_copy(rows_a, acc_sh.at[pl.ds(s * RPT + i * K, K)])
        return 0
    lax.fori_loop(0, RPT // K, zero_acc, 0)
    plsc.subcore_barrier()

    n2 = jnp.where(c == 0, CH0 // 2, CH1 // 2)
    cbase = jnp.where(c == 0, s * CH0, 16 * CH0 + s * CH1)

    pltpu.sync_copy(src_hbm.at[pl.ds(cbase * K, K)], src_a)
    pltpu.sync_copy(dst_hbm.at[pl.ds(cbase * K, K)], dst_a)
    pltpu.async_copy(hp_hbm.at[src_a], rows_a, ga)

    def body(j, _):
        @pl.when(j < n2)
        def _():
            i2 = pl.multiple_of((cbase + 2 * j + 1) * K, 8)
            pltpu.sync_copy(src_hbm.at[pl.ds(i2, K)], src_b)
            pltpu.sync_copy(dst_hbm.at[pl.ds(i2, K)], dst_b)
            pltpu.async_copy(hp_hbm.at[src_b], rows_b, gb)
            pltpu.make_async_copy(hp_hbm.at[src_a], rows_a, ga).wait()
            pltpu.sync_copy(rows_a, acc_sh.at[dst_a], add=True)

            @pl.when(j < n2 - 1)
            def _():
                i3 = pl.multiple_of((cbase + 2 * j + 2) * K, 8)
                pltpu.sync_copy(src_hbm.at[pl.ds(i3, K)], src_a)
                pltpu.sync_copy(dst_hbm.at[pl.ds(i3, K)], dst_a)
                pltpu.async_copy(hp_hbm.at[src_a], rows_a, ga)
            pltpu.make_async_copy(hp_hbm.at[src_b], rows_b, gb).wait()
            pltpu.sync_copy(rows_b, acc_sh.at[dst_b], add=True)
        return 0
    lax.fori_loop(0, CHM2, body, 0)

    plsc.subcore_barrier()

    def copy_out(i, _):
        pltpu.sync_copy(acc_sh.at[pl.ds(s * RPT + i * K, K)], rows_a)
        pltpu.sync_copy(rows_a, out_hbm.at[pl.ds(c * NP + s * RPT + i * K, K)])
        return 0
    lax.fori_loop(0, RPT // K, copy_out, 0)



def _mm1_body(x_ref, w_ref, h_ref):
    h_ref[...] = jnp.dot(x_ref[...], w_ref[...],
                         preferred_element_type=jnp.float32)


_mm1 = pl.pallas_call(
    _mm1_body,
    out_shape=jax.ShapeDtypeStruct((N, D), jnp.float32),
)


def _scale_body(deg0_ref, deg1_ref, h_ref, hp_ref, dinv_ref):
    deg = deg0_ref[...][:, 0:1] + deg1_ref[...][:, 0:1] + 1.0
    dinv = lax.rsqrt(deg)
    hp_ref[...] = h_ref[...] * dinv
    dinv_ref[...] = jnp.broadcast_to(dinv, (N, D))


_scale = pl.pallas_call(
    _scale_body,
    out_shape=(jax.ShapeDtypeStruct((N, D), jnp.float32),
               jax.ShapeDtypeStruct((N, D), jnp.float32)),
)


def _combine_mm_body(s0_ref, s1_ref, hp_ref, dinv_ref, w_ref, b_ref, out_ref):
    agg = s0_ref[...] + s1_ref[...] + hp_ref[...]
    o1 = dinv_ref[...] * agg + b_ref[...]
    out_ref[...] = dinv_ref[...] * jnp.dot(
        o1, w_ref[...], preferred_element_type=jnp.float32)


_combine_mm = pl.pallas_call(
    _combine_mm_body,
    out_shape=jax.ShapeDtypeStruct((N, D), jnp.float32),
)


def _final_body(s0_ref, s1_ref, hp_ref, dinv_ref, b_ref, batch_ref, out_ref):
    agg = s0_ref[...] + s1_ref[...] + hp_ref[...]
    o2 = dinv_ref[...] * agg + b_ref[...]
    ids = batch_ref[...]
    gid = lax.broadcasted_iota(jnp.int32, (G, N), 0)
    p = (gid == ids).astype(jnp.float32)
    ssum = jnp.dot(p, o2, preferred_element_type=jnp.float32)
    cnt = jnp.sum(p, axis=1, keepdims=True)
    out_ref[...] = ssum / jnp.maximum(cnt, 1.0)


_final = pl.pallas_call(
    _final_body,
    out_shape=jax.ShapeDtypeStruct((G, D), jnp.float32),
)


def kernel(x, edge_index, batch, W1, b1, W2, b2):
    pad = EP - E
    src = jnp.concatenate([edge_index[0], jnp.zeros((pad,), jnp.int32)])
    dst = jnp.concatenate([edge_index[1], jnp.full((pad,), N, jnp.int32)])

    h1 = _mm1(x, W1)
    degp = _deg_kernel(dst)
    deg0 = degp[:N]
    deg1 = degp[NP:NP + N]

    hp1, dinv = _scale(deg0, deg1, h1)
    s1 = _agg_kernel(hp1, src, dst)
    hp2 = _combine_mm(s1[:N], s1[NP:NP + N], hp1, dinv, W2,
                      b1.reshape(1, D))
    s2 = _agg_kernel(hp2, src, dst)
    return _final(s2[:N], s2[NP:NP + N], hp2, dinv, b2.reshape(1, D),
                  batch.reshape(1, N))

# --- scband reference (transcript-rebuilt; emitter-appended) ---
"""Pipeline reference for scband-gcn-24962349924889 (READ-ONLY COPY).

The authoritative reference and input builder live on the scoring server;
editing this copy changes nothing except your own understanding.
"""

import jax, jax.numpy as jnp
import numpy as np

N = 10000
E = 320000
D = 128
G = 16


def setup_inputs(seed: int = 0) -> dict:
    key = jax.random.key(seed)
    k1, k2, k3, k4, k5, k6, k7 = jax.random.split(key, 7)
    x = jax.random.normal(k1, (N, D), dtype=jnp.float32)
    edge_index = jax.random.randint(k2, (2, E), 0, N, dtype=jnp.int32)
    batch = jnp.sort(jax.random.randint(k3, (N,), 0, G, dtype=jnp.int32))
    scale = 1.0 / np.sqrt(D)
    W1 = jax.random.uniform(k4, (D, D), dtype=jnp.float32, minval=-scale, maxval=scale)
    b1 = jnp.zeros((D,), dtype=jnp.float32)
    W2 = jax.random.uniform(k5, (D, D), dtype=jnp.float32, minval=-scale, maxval=scale)
    b2 = jnp.zeros((D,), dtype=jnp.float32)
    return {"x": x, "edge_index": edge_index, "batch": batch, "W1": W1, "b1": b1, "W2": W2, "b2": b2}


def _gcn_layer(x, edge_index, W, b):
    # Faithful PyG GCNConv: add self-loops, symmetric deg^{-1/2} normalization,
    # linear transform, scatter-add aggregation, bias.
    n = x.shape[0]
    loop = jnp.arange(n, dtype=edge_index.dtype)
    src = jnp.concatenate([edge_index[0], loop])
    dst = jnp.concatenate([edge_index[1], loop])
    ones = jnp.ones(src.shape[0], dtype=x.dtype)
    deg = jax.ops.segment_sum(ones, dst, num_segments=n)
    dinv = jnp.where(deg > 0, deg ** -0.5, 0.0)
    norm = dinv[src] * dinv[dst]
    h = x @ W
    msg = norm[:, None] * jnp.take(h, src, axis=0)
    out = jax.ops.segment_sum(msg, dst, num_segments=n)
    return out + b


def reference(x, edge_index, batch, W1, b1, W2, b2):
    h = _gcn_layer(x, edge_index, W1, b1)
    h = _gcn_layer(h, edge_index, W2, b2)
    # global_mean_pool over graph ids
    s = jax.ops.segment_sum(h, batch, num_segments=G)
    cnt = jax.ops.segment_sum(jnp.ones((h.shape[0],), dtype=h.dtype), batch, num_segments=G)
    return s / jnp.maximum(cnt, 1.0)[:, None]

if __name__ == "__main__":
    import jax
    _d = setup_inputs()
    print(jax.jit(kernel)(*tuple(_d.values())))

</pallas_src>

<mosaic_0001>
#map = affine_map<(d0, d1) -> (0)>
#map1 = affine_map<(d0, d1) -> (0, 0)>
module attributes {stable_mosaic.version = 14 : i64} {
  func.func @_deg_kernel(%arg0: i32, %arg1: i32, %arg2: memref<327680xi32, #tpu.memory_space<hbm>>, %arg3: memref<20480x128xf32, #tpu.memory_space<hbm>>, %arg4: memref<128xi32, #tpu.memory_space<vmem>>, %arg5: memref<128x128xf32, #tpu.memory_space<vmem>>, %arg6: memref<10240x128xf32, #tpu.memory_space<vmem_shared>>) attributes {dimension_semantics = [#tpu.dimension_semantics<core_parallel>, #tpu.dimension_semantics<subcore_parallel>], iteration_bounds = array<i64: 2, 16>, scalar_prefetch = 0 : i64, scratch_operands = 3 : i64, tpu.core_type = #tpu.core_type<sc_vector_subcore>, window_params = [{transform_indices = #map}, {transform_indices = #map1}]} {
    %mul3A = arith.constant 2 : i32
    %mul3A_0 = arith.muli %arg1, %mul3A : i32
    %add3A = arith.addi %mul3A_0, %arg0 : i32
    %broadcast_in_dim3A = arith.constant 0.000000e+00 : f32
    %broadcast_in_dim3A_1 = vector.broadcast %broadcast_in_dim3A : f32 to vector<16xf32>
    %scan3A = arith.constant 0 : i32
    %scan3A_2 = arith.constant 0 : i32
    %scan3A_3 = arith.constant 128 : i32
    %scan3A_4 = arith.addi %scan3A_2, %scan3A_3 : i32
    %scan3A_5 = arith.constant 1 : i32
    %scan3A_6 = scf.for %scan3A_39 = %scan3A_2 to %scan3A_4 step %scan3A_5 iter_args(%scan3A_40 = %scan3A) -> (i32)  : i32 {
      %scan3A_41 = arith.constant 0 : i32
      %scan3A_42 = arith.constant 0 : i32
      %scan3A_43 = arith.constant 8 : i32
      %scan3A_44 = arith.addi %scan3A_42, %scan3A_43 : i32
      %scan3A_45 = arith.constant 1 : i32
      %scan3A_46 = scf.for %scan3A_49 = %scan3A_42 to %scan3A_44 step %scan3A_45 iter_args(%scan3A_50 = %scan3A_41) -> (i32)  : i32 {
        %mul3A_51 = arith.constant 16 : i32
        %mul3A_52 = arith.muli %scan3A_49, %mul3A_51 : i32
        %swap3A = arith.index_cast %scan3A_39 : i32 to index
        %swap3A_53 = arith.index_cast %mul3A_52 : i32 to index
        %swap3A_54 = tpu.vector_load %arg5[%swap3A, %swap3A_53] {strides = array<i32>} : memref<128x128xf32, #tpu.memory_space<vmem>>, vector<1x16xf32>,
        %swap3A_55 = vector.shape_cast %swap3A_54 : vector<1x16xf32> to vector<16xf32>
        %swap3A_56 = vector.shape_cast %broadcast_in_dim3A_1 : vector<16xf32> to vector<1x16xf32>
        tpu.vector_store %arg5[%swap3A, %swap3A_53], %swap3A_56 {strides = array<i32>} : memref<128x128xf32, #tpu.memory_space<vmem>>, vector<1x16xf32>,
        %scan3A_57 = arith.constant 0 : i32
        scf.yield %scan3A_57 : i32
      }
      %scan3A_47 = arith.constant 8 : i32
      %scan3A_48 = arith.constant 0 : i32
      scf.yield %scan3A_48 : i32
    }
    %scan3A_7 = arith.constant 128 : i32
    %scan3A_8 = arith.constant 0 : i32
    %scan3A_9 = arith.constant 0 : i32
    %scan3A_10 = arith.constant 5 : i32
    %scan3A_11 = arith.addi %scan3A_9, %scan3A_10 : i32
    %scan3A_12 = arith.constant 1 : i32
    %scan3A_13 = scf.for %scan3A_39 = %scan3A_9 to %scan3A_11 step %scan3A_12 iter_args(%scan3A_40 = %scan3A_8) -> (i32)  : i32 {
      %mul3A_41 = arith.constant 640 : i32
      %mul3A_42 = arith.muli %arg1, %mul3A_41 : i32
      %mul3A_43 = arith.constant 128 : i32
      %mul3A_44 = arith.muli %scan3A_39, %mul3A_43 : i32
      %add3A_45 = arith.addi %mul3A_42, %mul3A_44 : i32
      "tpu.region"() ({
        %run_scoped3A = tpu.sem_alloc : memref<!tpu.dma_semaphore, #tpu.memory_space<semaphore_mem>>
        %dma_start3A = arith.constant 0 : i32
        %dma_start3A_47 = tpu.memref_slice %arg6[%add3A_45, %dma_start3A] : memref<10240x128xf32, #tpu.memory_space<vmem_shared>> -> memref<128x128xf32, #tpu.memory_space<vmem_shared>>
        %dma_start3A_48 = arith.constant 0 : i32
        %dma_start3A_49 = tpu.memref_slice %arg6[%add3A_45, %dma_start3A_48] : memref<10240x128xf32, #tpu.memory_space<vmem_shared>> -> memref<128x128xf32, #tpu.memory_space<vmem_shared>>
        tpu.enqueue_dma source(%arg5 : memref<128x128xf32, #tpu.memory_space<vmem>>) target(%dma_start3A_49 : memref<128x128xf32, #tpu.memory_space<vmem_shared>>) target_semaphore(%run_scoped3A : memref<!tpu.dma_semaphore, #tpu.memory_space<semaphore_mem>>)
        %dma_wait3A = arith.constant 0 : i32
        %dma_wait3A_50 = tpu.memref_slice %arg6[%add3A_45, %dma_wait3A] : memref<10240x128xf32, #tpu.memory_space<vmem_shared>> -> memref<128x128xf32, #tpu.memory_space<vmem_shared>>
        %dma_wait3A_51 = arith.constant 0 : i32
        %dma_wait3A_52 = tpu.memref_slice %arg6[%add3A_45, %dma_wait3A_51] : memref<10240x128xf32, #tpu.memory_space<vmem_shared>> -> memref<128x128xf32, #tpu.memory_space<vmem_shared>>
        tpu.wait_dma2 semaphore(%run_scoped3A : memref<!tpu.dma_semaphore, #tpu.memory_space<semaphore_mem>>) src(%arg5 : memref<128x128xf32, #tpu.memory_space<vmem>>) dst(%dma_wait3A_52 : memref<128x128xf32, #tpu.memory_space<vmem_shared>>)
        tpu.yield
      }) : () -> ()
      %scan3A_46 = arith.constant 0 : i32
      scf.yield %scan3A_46 : i32
    }
    %scan3A_14 = arith.constant 5 : i32
    %broadcast_in_dim3A_15 = arith.constant 1.000000e+00 : f32
    %broadcast_in_dim3A_16 = vector.broadcast %broadcast_in_dim3A_15 : f32 to vector<16xf32>
    %scan3A_17 = arith.constant 0 : i32
    %scan3A_18 = arith.constant 0 : i32
    %scan3A_19 = arith.constant 128 : i32
    %scan3A_20 = arith.addi %scan3A_18, %scan3A_19 : i32
    %scan3A_21 = arith.constant 1 : i32
    %scan3A_22 = scf.for %scan3A_39 = %scan3A_18 to %scan3A_20 step %scan3A_21 iter_args(%scan3A_40 = %scan3A_17) -> (i32)  : i32 {
      %scan3A_41 = arith.constant 0 : i32
      %scan3A_42 = arith.constant 0 : i32
      %scan3A_43 = arith.constant 8 : i32
      %scan3A_44 = arith.addi %scan3A_42, %scan3A_43 : i32
      %scan3A_45 = arith.constant 1 : i32
      %scan3A_46 = scf.for %scan3A_49 = %scan3A_42 to %scan3A_44 step %scan3A_45 iter_args(%scan3A_50 = %scan3A_41) -> (i32)  : i32 {
        %mul3A_51 = arith.constant 16 : i32
        %mul3A_52 = arith.muli %scan3A_49, %mul3A_51 : i32
        %swap3A = arith.index_cast %scan3A_39 : i32 to index
        %swap3A_53 = arith.index_cast %mul3A_52 : i32 to index
        %swap3A_54 = tpu.vector_load %arg5[%swap3A, %swap3A_53] {strides = array<i32>} : memref<128x128xf32, #tpu.memory_space<vmem>>, vector<1x16xf32>,
        %swap3A_55 = vector.shape_cast %swap3A_54 : vector<1x16xf32> to vector<16xf32>
        %swap3A_56 = vector.shape_cast %broadcast_in_dim3A_16 : vector<16xf32> to vector<1x16xf32>
        tpu.vector_store %arg5[%swap3A, %swap3A_53], %swap3A_56 {strides = array<i32>} : memref<128x128xf32, #tpu.memory_space<vmem>>, vector<1x16xf32>,
        %scan3A_57 = arith.constant 0 : i32
        scf.yield %scan3A_57 : i32
      }
      %scan3A_47 = arith.constant 8 : i32
      %scan3A_48 = arith.constant 0 : i32
      scf.yield %scan3A_48 : i32
    }
    %scan3A_23 = arith.constant 128 : i32
    %barrier3A = arith.constant 0 : index
    tpu.barrier barrier_id(%barrier3A)
    %scan3A_24 = arith.constant 0 : i32
    %scan3A_25 = arith.constant 0 : i32
    %scan3A_26 = arith.constant 80 : i32
    %scan3A_27 = arith.addi %scan3A_25, %scan3A_26 : i32
    %scan3A_28 = arith.constant 1 : i32
    %scan3A_29 = scf.for %scan3A_39 = %scan3A_25 to %scan3A_27 step %scan3A_28 iter_args(%scan3A_40 = %scan3A_24) -> (i32)  : i32 {
      %mul3A_41 = arith.constant 10240 : i32
      %mul3A_42 = arith.muli %add3A, %mul3A_41 : i32
      %mul3A_43 = arith.constant 128 : i32
      %mul3A_44 = arith.muli %scan3A_39, %mul3A_43 : i32
      %add3A_45 = arith.addi %mul3A_42, %mul3A_44 : i32
      %multiple_of3A = tpu.assume_multiple %add3A_45, 8 : i32
      "tpu.region"() ({
        %run_scoped3A = tpu.sem_alloc : memref<!tpu.dma_semaphore, #tpu.memory_space<semaphore_mem>>
        %dma_start3A = tpu.memref_slice %arg2[%multiple_of3A] : memref<327680xi32, #tpu.memory_space<hbm>> -> memref<128xi32, #tpu.memory_space<hbm>>
        %dma_start3A_47 = tpu.memref_slice %arg2[%multiple_of3A] : memref<327680xi32, #tpu.memory_space<hbm>> -> memref<128xi32, #tpu.memory_space<hbm>>
        tpu.enqueue_dma source(%dma_start3A_47 : memref<128xi32, #tpu.memory_space<hbm>>) target(%arg4 : memref<128xi32, #tpu.memory_space<vmem>>) target_semaphore(%run_scoped3A : memref<!tpu.dma_semaphore, #tpu.memory_space<semaphore_mem>>)
        %dma_wait3A = tpu.memref_slice %arg2[%multiple_of3A] : memref<327680xi32, #tpu.memory_space<hbm>> -> memref<128xi32, #tpu.memory_space<hbm>>
        %dma_wait3A_48 = tpu.memref_slice %arg2[%multiple_of3A] : memref<327680xi32, #tpu.memory_space<hbm>> -> memref<128xi32, #tpu.memory_space<hbm>>
        tpu.wait_dma2 semaphore(%run_scoped3A : memref<!tpu.dma_semaphore, #tpu.memory_space<semaphore_mem>>) src(%dma_wait3A_48 : memref<128xi32, #tpu.memory_space<hbm>>) dst(%arg4 : memref<128xi32, #tpu.memory_space<vmem>>)
        tpu.yield
      }) : () -> ()
      "tpu.region"() ({
        %run_scoped3A = tpu.sem_alloc : memref<!tpu.dma_semaphore, #tpu.memory_space<semaphore_mem>>
        %dma_start3A = arith.constant 0 : i32
        %dma_start3A_47 = arith.constant 0 : i32
        %dma_start3A_48 = tpu.memref_slice %arg6[%dma_start3A, %dma_start3A_47] : memref<10240x128xf32, #tpu.memory_space<vmem_shared>> -> memref<10240x128xf32, #tpu.memory_space<vmem_shared>>
        tpu.enqueue_indirect_dma source(%arg5 : memref<128x128xf32, #tpu.memory_space<vmem>>) target(%dma_start3A_48 : memref<10240x128xf32, #tpu.memory_space<vmem_shared>>) offsets(%arg4 : memref<128xi32, #tpu.memory_space<vmem>>) semaphore(%run_scoped3A : memref<!tpu.dma_semaphore, #tpu.memory_space<semaphore_mem>>) {add = true}
        %dma_wait3A = arith.constant 0 : i32
        %dma_wait3A_49 = arith.constant 0 : i32
        %dma_wait3A_50 = tpu.memref_slice %arg6[%dma_wait3A, %dma_wait3A_49] : memref<10240x128xf32, #tpu.memory_space<vmem_shared>> -> memref<10240x128xf32, #tpu.memory_space<vmem_shared>>
        tpu.wait_indirect_dma semaphore(%run_scoped3A : memref<!tpu.dma_semaphore, #tpu.memory_space<semaphore_mem>>) src(%arg5 : memref<128x128xf32, #tpu.memory_space<vmem>>) dst(%dma_wait3A_50 : memref<10240x128xf32, #tpu.memory_space<vmem_shared>>)
        tpu.yield
      }) : () -> ()
      %scan3A_46 = arith.constant 0 : i32
      scf.yield %scan3A_46 : i32
    }
    %scan3A_30 = arith.constant 80 : i32
    %barrier3A_31 = arith.constant 0 : index
    tpu.barrier barrier_id(%barrier3A_31)
    %scan3A_32 = arith.constant 0 : i32
    %scan3A_33 = arith.constant 0 : i32
    %scan3A_34 = arith.constant 5 : i32
    %scan3A_35 = arith.addi %scan3A_33, %scan3A_34 : i32
    %scan3A_36 = arith.constant 1 : i32
    %scan3A_37 = scf.for %scan3A_39 = %scan3A_33 to %scan3A_35 step %scan3A_36 iter_args(%scan3A_40 = %scan3A_32) -> (i32)  : i32 {
      %mul3A_41 = arith.constant 640 : i32
      %mul3A_42 = arith.muli %arg1, %mul3A_41 : i32
      %mul3A_43 = arith.constant 128 : i32
      %mul3A_44 = arith.muli %scan3A_39, %mul3A_43 : i32
      %add3A_45 = arith.addi %mul3A_42, %mul3A_44 : i32
      "tpu.region"() ({
        %run_scoped3A = tpu.sem_alloc : memref<!tpu.dma_semaphore, #tpu.memory_space<semaphore_mem>>
        %dma_start3A = arith.constant 0 : i32
        %dma_start3A_55 = tpu.memref_slice %arg6[%add3A_45, %dma_start3A] : memref<10240x128xf32, #tpu.memory_space<vmem_shared>> -> memref<128x128xf32, #tpu.memory_space<vmem_shared>>
        %dma_start3A_56 = arith.constant 0 : i32
        %dma_start3A_57 = tpu.memref_slice %arg6[%add3A_45, %dma_start3A_56] : memref<10240x128xf32, #tpu.memory_space<vmem_shared>> -> memref<128x128xf32, #tpu.memory_space<vmem_shared>>
        tpu.enqueue_dma source(%dma_start3A_57 : memref<128x128xf32, #tpu.memory_space<vmem_shared>>) target(%arg5 : memref<128x128xf32, #tpu.memory_space<vmem>>) target_semaphore(%run_scoped3A : memref<!tpu.dma_semaphore, #tpu.memory_space<semaphore_mem>>)
        %dma_wait3A = arith.constant 0 : i32
        %dma_wait3A_58 = tpu.memref_slice %arg6[%add3A_45, %dma_wait3A] : memref<10240x128xf32, #tpu.memory_space<vmem_shared>> -> memref<128x128xf32, #tpu.memory_space<vmem_shared>>
        %dma_wait3A_59 = arith.constant 0 : i32
        %dma_wait3A_60 = tpu.memref_slice %arg6[%add3A_45, %dma_wait3A_59] : memref<10240x128xf32, #tpu.memory_space<vmem_shared>> -> memref<128x128xf32, #tpu.memory_space<vmem_shared>>
        tpu.wait_dma2 semaphore(%run_scoped3A : memref<!tpu.dma_semaphore, #tpu.memory_space<semaphore_mem>>) src(%dma_wait3A_60 : memref<128x128xf32, #tpu.memory_space<vmem_shared>>) dst(%arg5 : memref<128x128xf32, #tpu.memory_space<vmem>>)
        tpu.yield
      }) : () -> ()
      %mul3A_46 = arith.constant 10240 : i32
      %mul3A_47 = arith.muli %arg0, %mul3A_46 : i32
      %mul3A_48 = arith.constant 640 : i32
      %mul3A_49 = arith.muli %arg1, %mul3A_48 : i32
      %add3A_50 = arith.addi %mul3A_47, %mul3A_49 : i32
      %mul3A_51 = arith.constant 128 : i32
      %mul3A_52 = arith.muli %scan3A_39, %mul3A_51 : i32
      %add3A_53 = arith.addi %add3A_50, %mul3A_52 : i32
      "tpu.region"() ({
        %run_scoped3A = tpu.sem_alloc : memref<!tpu.dma_semaphore, #tpu.memory_space<semaphore_mem>>
        %dma_start3A = arith.constant 0 : i32
        %dma_start3A_55 = tpu.memref_slice %arg3[%add3A_53, %dma_start3A] : memref<20480x128xf32, #tpu.memory_space<hbm>> -> memref<128x128xf32, #tpu.memory_space<hbm>>
        %dma_start3A_56 = arith.constant 0 : i32
        %dma_start3A_57 = tpu.memref_slice %arg3[%add3A_53, %dma_start3A_56] : memref<20480x128xf32, #tpu.memory_space<hbm>> -> memref<128x128xf32, #tpu.memory_space<hbm>>
        tpu.enqueue_dma source(%arg5 : memref<128x128xf32, #tpu.memory_space<vmem>>) target(%dma_start3A_57 : memref<128x128xf32, #tpu.memory_space<hbm>>) target_semaphore(%run_scoped3A : memref<!tpu.dma_semaphore, #tpu.memory_space<semaphore_mem>>)
        %dma_wait3A = arith.constant 0 : i32
        %dma_wait3A_58 = tpu.memref_slice %arg3[%add3A_53, %dma_wait3A] : memref<20480x128xf32, #tpu.memory_space<hbm>> -> memref<128x128xf32, #tpu.memory_space<hbm>>
        %dma_wait3A_59 = arith.constant 0 : i32
        %dma_wait3A_60 = tpu.memref_slice %arg3[%add3A_53, %dma_wait3A_59] : memref<20480x128xf32, #tpu.memory_space<hbm>> -> memref<128x128xf32, #tpu.memory_space<hbm>>
        tpu.wait_dma2 semaphore(%run_scoped3A : memref<!tpu.dma_semaphore, #tpu.memory_space<semaphore_mem>>) src(%arg5 : memref<128x128xf32, #tpu.memory_space<vmem>>) dst(%dma_wait3A_60 : memref<128x128xf32, #tpu.memory_space<hbm>>)
        tpu.yield
      }) : () -> ()
      %scan3A_54 = arith.constant 0 : i32
      scf.yield %scan3A_54 : i32
    }
    %scan3A_38 = arith.constant 5 : i32
    return
  }
}

#map = affine_map<(d0, d1) -> (0, 0)>
#map1 = affine_map<(d0, d1) -> (0)>
module attributes {stable_mosaic.version = 14 : i64} {
  func.func @_agg_kernel(%arg0: i32, %arg1: i32, %arg2: memref<10000x128xf32, #tpu.memory_space<hbm>>, %arg3: memref<327680xi32, #tpu.memory_space<hbm>>, %arg4: memref<327680xi32, #tpu.memory_space<hbm>>, %arg5: memref<20480x128xf32, #tpu.memory_space<hbm>>, %arg6: memref<128xi32, #tpu.memory_space<vmem>>, %arg7: memref<128xi32, #tpu.memory_space<vmem>>, %arg8: memref<128xi32, #tpu.memory_space<vmem>>, %arg9: memref<128xi32, #tpu.memory_space<vmem>>, %arg10: memref<128x128xf32, #tpu.memory_space<vmem>>, %arg11: memref<128x128xf32, #tpu.memory_space<vmem>>, %arg12: memref<10240x128xf32, #tpu.memory_space<vmem_shared>>, %arg13: memref<!tpu.dma_semaphore, #tpu.memory_space<semaphore_mem>>, %arg14: memref<!tpu.dma_semaphore, #tpu.memory_space<semaphore_mem>>) attributes {dimension_semantics = [#tpu.dimension_semantics<core_parallel>, #tpu.dimension_semantics<subcore_parallel>], iteration_bounds = array<i64: 2, 16>, scalar_prefetch = 0 : i64, scratch_operands = 9 : i64, tpu.core_type = #tpu.core_type<sc_vector_subcore>, window_params = [{transform_indices = #map}, {transform_indices = #map1}, {transform_indices = #map1}, {transform_indices = #map}]} {
    %broadcast_in_dim3A = arith.constant 0.000000e+00 : f32
    %broadcast_in_dim3A_0 = vector.broadcast %broadcast_in_dim3A : f32 to vector<16xf32>
    %scan3A = arith.constant 0 : i32
    %scan3A_1 = arith.constant 0 : i32
    %scan3A_2 = arith.constant 128 : i32
    %scan3A_3 = arith.addi %scan3A_1, %scan3A_2 : i32
    %scan3A_4 = arith.constant 1 : i32
    %scan3A_5 = scf.for %scan3A_44 = %scan3A_1 to %scan3A_3 step %scan3A_4 iter_args(%scan3A_45 = %scan3A) -> (i32)  : i32 {
      %scan3A_46 = arith.constant 0 : i32
      %scan3A_47 = arith.constant 0 : i32
      %scan3A_48 = arith.constant 8 : i32
      %scan3A_49 = arith.addi %scan3A_47, %scan3A_48 : i32
      %scan3A_50 = arith.constant 1 : i32
      %scan3A_51 = scf.for %scan3A_54 = %scan3A_47 to %scan3A_49 step %scan3A_50 iter_args(%scan3A_55 = %scan3A_46) -> (i32)  : i32 {
        %mul3A_56 = arith.constant 16 : i32
        %mul3A_57 = arith.muli %scan3A_54, %mul3A_56 : i32
        %swap3A = arith.index_cast %scan3A_44 : i32 to index
        %swap3A_58 = arith.index_cast %mul3A_57 : i32 to index
        %swap3A_59 = tpu.vector_load %arg10[%swap3A, %swap3A_58] {strides = array<i32>} : memref<128x128xf32, #tpu.memory_space<vmem>>, vector<1x16xf32>,
        %swap3A_60 = vector.shape_cast %swap3A_59 : vector<1x16xf32> to vector<16xf32>
        %swap3A_61 = vector.shape_cast %broadcast_in_dim3A_0 : vector<16xf32> to vector<1x16xf32>
        tpu.vector_store %arg10[%swap3A, %swap3A_58], %swap3A_61 {strides = array<i32>} : memref<128x128xf32, #tpu.memory_space<vmem>>, vector<1x16xf32>,
        %scan3A_62 = arith.constant 0 : i32
        scf.yield %scan3A_62 : i32
      }
      %scan3A_52 = arith.constant 8 : i32
      %scan3A_53 = arith.constant 0 : i32
      scf.yield %scan3A_53 : i32
    }
    %scan3A_6 = arith.constant 128 : i32
    %scan3A_7 = arith.constant 0 : i32
    %scan3A_8 = arith.constant 0 : i32
    %scan3A_9 = arith.constant 5 : i32
    %scan3A_10 = arith.addi %scan3A_8, %scan3A_9 : i32
    %scan3A_11 = arith.constant 1 : i32
    %scan3A_12 = scf.for %scan3A_44 = %scan3A_8 to %scan3A_10 step %scan3A_11 iter_args(%scan3A_45 = %scan3A_7) -> (i32)  : i32 {
      %mul3A_46 = arith.constant 640 : i32
      %mul3A_47 = arith.muli %arg1, %mul3A_46 : i32
      %mul3A_48 = arith.constant 128 : i32
      %mul3A_49 = arith.muli %scan3A_44, %mul3A_48 : i32
      %add3A_50 = arith.addi %mul3A_47, %mul3A_49 : i32
      "tpu.region"() ({
        %run_scoped3A = tpu.sem_alloc : memref<!tpu.dma_semaphore, #tpu.memory_space<semaphore_mem>>
        %dma_start3A_52 = arith.constant 0 : i32
        %dma_start3A_53 = tpu.memref_slice %arg12[%add3A_50, %dma_start3A_52] : memref<10240x128xf32, #tpu.memory_space<vmem_shared>> -> memref<128x128xf32, #tpu.memory_space<vmem_shared>>
        %dma_start3A_54 = arith.constant 0 : i32
        %dma_start3A_55 = tpu.memref_slice %arg12[%add3A_50, %dma_start3A_54] : memref<10240x128xf32, #tpu.memory_space<vmem_shared>> -> memref<128x128xf32, #tpu.memory_space<vmem_shared>>
        tpu.enqueue_dma source(%arg10 : memref<128x128xf32, #tpu.memory_space<vmem>>) target(%dma_start3A_55 : memref<128x128xf32, #tpu.memory_space<vmem_shared>>) target_semaphore(%run_scoped3A : memref<!tpu.dma_semaphore, #tpu.memory_space<semaphore_mem>>)
        %dma_wait3A = arith.constant 0 : i32
        %dma_wait3A_56 = tpu.memref_slice %arg12[%add3A_50, %dma_wait3A] : memref<10240x128xf32, #tpu.memory_space<vmem_shared>> -> memref<128x128xf32, #tpu.memory_space<vmem_shared>>
        %dma_wait3A_57 = arith.constant 0 : i32
        %dma_wait3A_58 = tpu.memref_slice %arg12[%add3A_50, %dma_wait3A_57] : memref<10240x128xf32, #tpu.memory_space<vmem_shared>> -> memref<128x128xf32, #tpu.memory_space<vmem_shared>>
        tpu.wait_dma2 semaphore(%run_scoped3A : memref<!tpu.dma_semaphore, #tpu.memory_space<semaphore_mem>>) src(%arg10 : memref<128x128xf32, #tpu.memory_space<vmem>>) dst(%dma_wait3A_58 : memref<128x128xf32, #tpu.memory_space<vmem_shared>>)
        tpu.yield
      }) : () -> ()
      %scan3A_51 = arith.constant 0 : i32
      scf.yield %scan3A_51 : i32
    }
    %scan3A_13 = arith.constant 5 : i32
    %barrier3A = arith.constant 0 : index
    tpu.barrier barrier_id(%barrier3A)
    %eq3A = arith.constant 0 : i32
    %eq3A_14 = arith.cmpi eq, %arg0, %eq3A : i32
    %jit3A = arith.constant 58 : i32
    %jit3A_15 = arith.constant 22 : i32
    %select_n3A = arith.select %eq3A_14, %jit3A, %jit3A_15 : i32
    %eq3A_16 = arith.constant 0 : i32
    %eq3A_17 = arith.cmpi eq, %arg0, %eq3A_16 : i32
    %mul3A = arith.constant 116 : i32
    %mul3A_18 = arith.muli %arg1, %mul3A : i32
    %mul3A_19 = arith.constant 44 : i32
    %mul3A_20 = arith.muli %arg1, %mul3A_19 : i32
    %add3A = arith.constant 1856 : i32
    %add3A_21 = arith.addi %add3A, %mul3A_20 : i32
    %select_n3A_22 = arith.select %eq3A_17, %mul3A_18, %add3A_21 : i32
    %mul3A_23 = arith.constant 128 : i32
    %mul3A_24 = arith.muli %select_n3A_22, %mul3A_23 : i32
    "tpu.region"() ({
      %run_scoped3A = tpu.sem_alloc : memref<!tpu.dma_semaphore, #tpu.memory_space<semaphore_mem>>
      %dma_start3A_44 = tpu.memref_slice %arg3[%mul3A_24] : memref<327680xi32, #tpu.memory_space<hbm>> -> memref<128xi32, #tpu.memory_space<hbm>>
      %dma_start3A_45 = tpu.memref_slice %arg3[%mul3A_24] : memref<327680xi32, #tpu.memory_space<hbm>> -> memref<128xi32, #tpu.memory_space<hbm>>
      tpu.enqueue_dma source(%dma_start3A_45 : memref<128xi32, #tpu.memory_space<hbm>>) target(%arg6 : memref<128xi32, #tpu.memory_space<vmem>>) target_semaphore(%run_scoped3A : memref<!tpu.dma_semaphore, #tpu.memory_space<semaphore_mem>>)
      %dma_wait3A = tpu.memref_slice %arg3[%mul3A_24] : memref<327680xi32, #tpu.memory_space<hbm>> -> memref<128xi32, #tpu.memory_space<hbm>>
      %dma_wait3A_46 = tpu.memref_slice %arg3[%mul3A_24] : memref<327680xi32, #tpu.memory_space<hbm>> -> memref<128xi32, #tpu.memory_space<hbm>>
      tpu.wait_dma2 semaphore(%run_scoped3A : memref<!tpu.dma_semaphore, #tpu.memory_space<semaphore_mem>>) src(%dma_wait3A_46 : memref<128xi32, #tpu.memory_space<hbm>>) dst(%arg6 : memref<128xi32, #tpu.memory_space<vmem>>)
      tpu.yield
    }) : () -> ()
    %mul3A_25 = arith.constant 128 : i32
    %mul3A_26 = arith.muli %select_n3A_22, %mul3A_25 : i32
    "tpu.region"() ({
      %run_scoped3A = tpu.sem_alloc : memref<!tpu.dma_semaphore, #tpu.memory_space<semaphore_mem>>
      %dma_start3A_44 = tpu.memref_slice %arg4[%mul3A_26] : memref<327680xi32, #tpu.memory_space<hbm>> -> memref<128xi32, #tpu.memory_space<hbm>>
      %dma_start3A_45 = tpu.memref_slice %arg4[%mul3A_26] : memref<327680xi32, #tpu.memory_space<hbm>> -> memref<128xi32, #tpu.memory_space<hbm>>
      tpu.enqueue_dma source(%dma_start3A_45 : memref<128xi32, #tpu.memory_space<hbm>>) target(%arg7 : memref<128xi32, #tpu.memory_space<vmem>>) target_semaphore(%run_scoped3A : memref<!tpu.dma_semaphore, #tpu.memory_space<semaphore_mem>>)
      %dma_wait3A = tpu.memref_slice %arg4[%mul3A_26] : memref<327680xi32, #tpu.memory_space<hbm>> -> memref<128xi32, #tpu.memory_space<hbm>>
      %dma_wait3A_46 = tpu.memref_slice %arg4[%mul3A_26] : memref<327680xi32, #tpu.memory_space<hbm>> -> memref<128xi32, #tpu.memory_space<hbm>>
      tpu.wait_dma2 semaphore(%run_scoped3A : memref<!tpu.dma_semaphore, #tpu.memory_space<semaphore_mem>>) src(%dma_wait3A_46 : memref<128xi32, #tpu.memory_space<hbm>>) dst(%arg7 : memref<128xi32, #tpu.memory_space<vmem>>)
      tpu.yield
    }) : () -> ()
    %dma_start3A = arith.constant 0 : i32
    %dma_start3A_27 = arith.constant 0 : i32
    %dma_start3A_28 = tpu.memref_slice %arg2[%dma_start3A, %dma_start3A_27] : memref<10000x128xf32, #tpu.memory_space<hbm>> -> memref<10000x128xf32, #tpu.memory_space<hbm>>
    tpu.enqueue_indirect_dma source(%dma_start3A_28 : memref<10000x128xf32, #tpu.memory_space<hbm>>) target(%arg10 : memref<128x128xf32, #tpu.memory_space<vmem>>) offsets(%arg6 : memref<128xi32, #tpu.memory_space<vmem>>) semaphore(%arg13 : memref<!tpu.dma_semaphore, #tpu.memory_space<semaphore_mem>>)
    %scan3A_29 = arith.constant 0 : i32
    %scan3A_30 = arith.constant 0 : i32
    %scan3A_31 = arith.constant 58 : i32
    %scan3A_32 = arith.addi %scan3A_30, %scan3A_31 : i32
    %scan3A_33 = arith.constant 1 : i32
    %scan3A_34 = scf.for %scan3A_44 = %scan3A_30 to %scan3A_32 step %scan3A_33 iter_args(%scan3A_45 = %scan3A_29) -> (i32)  : i32 {
      %lt3A = arith.cmpi slt, %scan3A_44, %select_n3A : i32
      %convert_element_type3A = arith.extui %lt3A : i1 to i32
      %cond3A = arith.constant 0 : i32
      %cond3A_46 = arith.cmpi ne, %convert_element_type3A, %cond3A : i32
      scf.if %cond3A_46 {
        %mul3A_48 = arith.constant 2 : i32
        %mul3A_49 = arith.muli %mul3A_48, %scan3A_44 : i32
        %add3A_50 = arith.addi %select_n3A_22, %mul3A_49 : i32
        %add3A_51 = arith.constant 1 : i32
        %add3A_52 = arith.addi %add3A_50, %add3A_51 : i32
        %mul3A_53 = arith.constant 128 : i32
        %mul3A_54 = arith.muli %add3A_52, %mul3A_53 : i32
        %multiple_of3A = tpu.assume_multiple %mul3A_54, 8 : i32
        "tpu.region"() ({
          %run_scoped3A = tpu.sem_alloc : memref<!tpu.dma_semaphore, #tpu.memory_space<semaphore_mem>>
          %dma_start3A_68 = tpu.memref_slice %arg3[%multiple_of3A] : memref<327680xi32, #tpu.memory_space<hbm>> -> memref<128xi32, #tpu.memory_space<hbm>>
          %dma_start3A_69 = tpu.memref_slice %arg3[%multiple_of3A] : memref<327680xi32, #tpu.memory_space<hbm>> -> memref<128xi32, #tpu.memory_space<hbm>>
          tpu.enqueue_dma source(%dma_start3A_69 : memref<128xi32, #tpu.memory_space<hbm>>) target(%arg8 : memref<128xi32, #tpu.memory_space<vmem>>) target_semaphore(%run_scoped3A : memref<!tpu.dma_semaphore, #tpu.memory_space<semaphore_mem>>)
          %dma_wait3A_70 = tpu.memref_slice %arg3[%multiple_of3A] : memref<327680xi32, #tpu.memory_space<hbm>> -> memref<128xi32, #tpu.memory_space<hbm>>
          %dma_wait3A_71 = tpu.memref_slice %arg3[%multiple_of3A] : memref<327680xi32, #tpu.memory_space<hbm>> -> memref<128xi32, #tpu.memory_space<hbm>>
          tpu.wait_dma2 semaphore(%run_scoped3A : memref<!tpu.dma_semaphore, #tpu.memory_space<semaphore_mem>>) src(%dma_wait3A_71 : memref<128xi32, #tpu.memory_space<hbm>>) dst(%arg8 : memref<128xi32, #tpu.memory_space<vmem>>)
          tpu.yield
        }) : () -> ()
        "tpu.region"() ({
          %run_scoped3A = tpu.sem_alloc : memref<!tpu.dma_semaphore, #tpu.memory_space<semaphore_mem>>
          %dma_start3A_68 = tpu.memref_slice %arg4[%multiple_of3A] : memref<327680xi32, #tpu.memory_space<hbm>> -> memref<128xi32, #tpu.memory_space<hbm>>
          %dma_start3A_69 = tpu.memref_slice %arg4[%multiple_of3A] : memref<327680xi32, #tpu.memory_space<hbm>> -> memref<128xi32, #tpu.memory_space<hbm>>
          tpu.enqueue_dma source(%dma_start3A_69 : memref<128xi32, #tpu.memory_space<hbm>>) target(%arg9 : memref<128xi32, #tpu.memory_space<vmem>>) target_semaphore(%run_scoped3A : memref<!tpu.dma_semaphore, #tpu.memory_space<semaphore_mem>>)
          %dma_wait3A_70 = tpu.memref_slice %arg4[%multiple_of3A] : memref<327680xi32, #tpu.memory_space<hbm>> -> memref<128xi32, #tpu.memory_space<hbm>>
          %dma_wait3A_71 = tpu.memref_slice %arg4[%multiple_of3A] : memref<327680xi32, #tpu.memory_space<hbm>> -> memref<128xi32, #tpu.memory_space<hbm>>
          tpu.wait_dma2 semaphore(%run_scoped3A : memref<!tpu.dma_semaphore, #tpu.memory_space<semaphore_mem>>) src(%dma_wait3A_71 : memref<128xi32, #tpu.memory_space<hbm>>) dst(%arg9 : memref<128xi32, #tpu.memory_space<vmem>>)
          tpu.yield
        }) : () -> ()
        %dma_start3A_55 = arith.constant 0 : i32
        %dma_start3A_56 = arith.constant 0 : i32
        %dma_start3A_57 = tpu.memref_slice %arg2[%dma_start3A_55, %dma_start3A_56] : memref<10000x128xf32, #tpu.memory_space<hbm>> -> memref<10000x128xf32, #tpu.memory_space<hbm>>
        tpu.enqueue_indirect_dma source(%dma_start3A_57 : memref<10000x128xf32, #tpu.memory_space<hbm>>) target(%arg11 : memref<128x128xf32, #tpu.memory_space<vmem>>) offsets(%arg8 : memref<128xi32, #tpu.memory_space<vmem>>) semaphore(%arg14 : memref<!tpu.dma_semaphore, #tpu.memory_space<semaphore_mem>>)
        %dma_wait3A = arith.constant 0 : i32
        %dma_wait3A_58 = arith.constant 0 : i32
        %dma_wait3A_59 = tpu.memref_slice %arg2[%dma_wait3A, %dma_wait3A_58] : memref<10000x128xf32, #tpu.memory_space<hbm>> -> memref<10000x128xf32, #tpu.memory_space<hbm>>
        tpu.wait_indirect_dma semaphore(%arg13 : memref<!tpu.dma_semaphore, #tpu.memory_space<semaphore_mem>>) src(%dma_wait3A_59 : memref<10000x128xf32, #tpu.memory_space<hbm>>) dst(%arg10 : memref<128x128xf32, #tpu.memory_space<vmem>>)
        "tpu.region"() ({
          %run_scoped3A = tpu.sem_alloc : memref<!tpu.dma_semaphore, #tpu.memory_space<semaphore_mem>>
          %dma_start3A_68 = arith.constant 0 : i32
          %dma_start3A_69 = arith.constant 0 : i32
          %dma_start3A_70 = tpu.memref_slice %arg12[%dma_start3A_68, %dma_start3A_69] : memref<10240x128xf32, #tpu.memory_space<vmem_shared>> -> memref<10240x128xf32, #tpu.memory_space<vmem_shared>>
          tpu.enqueue_indirect_dma source(%arg10 : memref<128x128xf32, #tpu.memory_space<vmem>>) target(%dma_start3A_70 : memref<10240x128xf32, #tpu.memory_space<vmem_shared>>) offsets(%arg7 : memref<128xi32, #tpu.memory_space<vmem>>) semaphore(%run_scoped3A : memref<!tpu.dma_semaphore, #tpu.memory_space<semaphore_mem>>) {add = true}
          %dma_wait3A_71 = arith.constant 0 : i32
          %dma_wait3A_72 = arith.constant 0 : i32
          %dma_wait3A_73 = tpu.memref_slice %arg12[%dma_wait3A_71, %dma_wait3A_72] : memref<10240x128xf32, #tpu.memory_space<vmem_shared>> -> memref<10240x128xf32, #tpu.memory_space<vmem_shared>>
          tpu.wait_indirect_dma semaphore(%run_scoped3A : memref<!tpu.dma_semaphore, #tpu.memory_space<semaphore_mem>>) src(%arg10 : memref<128x128xf32, #tpu.memory_space<vmem>>) dst(%dma_wait3A_73 : memref<10240x128xf32, #tpu.memory_space<vmem_shared>>)
          tpu.yield
        }) : () -> ()
        %sub3A = arith.constant 1 : i32
        %sub3A_60 = arith.subi %select_n3A, %sub3A : i32
        %lt3A_61 = arith.cmpi slt, %scan3A_44, %sub3A_60 : i32
        %convert_element_type3A_62 = arith.extui %lt3A_61 : i1 to i32
        %cond3A_63 = arith.constant 0 : i32
        %cond3A_64 = arith.cmpi ne, %convert_element_type3A_62, %cond3A_63 : i32
        scf.if %cond3A_64 {
          %mul3A_68 = arith.constant 2 : i32
          %mul3A_69 = arith.muli %mul3A_68, %scan3A_44 : i32
          %add3A_70 = arith.addi %select_n3A_22, %mul3A_69 : i32
          %add3A_71 = arith.constant 2 : i32
          %add3A_72 = arith.addi %add3A_70, %add3A_71 : i32
          %mul3A_73 = arith.constant 128 : i32
          %mul3A_74 = arith.muli %add3A_72, %mul3A_73 : i32
          %multiple_of3A_75 = tpu.assume_multiple %mul3A_74, 8 : i32
          "tpu.region"() ({
            %run_scoped3A = tpu.sem_alloc : memref<!tpu.dma_semaphore, #tpu.memory_space<semaphore_mem>>
            %dma_start3A_79 = tpu.memref_slice %arg3[%multiple_of3A_75] : memref<327680xi32, #tpu.memory_space<hbm>> -> memref<128xi32, #tpu.memory_space<hbm>>
            %dma_start3A_80 = tpu.memref_slice %arg3[%multiple_of3A_75] : memref<327680xi32, #tpu.memory_space<hbm>> -> memref<128xi32, #tpu.memory_space<hbm>>
            tpu.enqueue_dma source(%dma_start3A_80 : memref<128xi32, #tpu.memory_space<hbm>>) target(%arg6 : memref<128xi32, #tpu.memory_space<vmem>>) target_semaphore(%run_scoped3A : memref<!tpu.dma_semaphore, #tpu.memory_space<semaphore_mem>>)
            %dma_wait3A_81 = tpu.memref_slice %arg3[%multiple_of3A_75] : memref<327680xi32, #tpu.memory_space<hbm>> -> memref<128xi32, #tpu.memory_space<hbm>>
            %dma_wait3A_82 = tpu.memref_slice %arg3[%multiple_of3A_75] : memref<327680xi32, #tpu.memory_space<hbm>> -> memref<128xi32, #tpu.memory_space<hbm>>
            tpu.wait_dma2 semaphore(%run_scoped3A : memref<!tpu.dma_semaphore, #tpu.memory_space<semaphore_mem>>) src(%dma_wait3A_82 : memref<128xi32, #tpu.memory_space<hbm>>) dst(%arg6 : memref<128xi32, #tpu.memory_space<vmem>>)
            tpu.yield
          }) : () -> ()
          "tpu.region"() ({
            %run_scoped3A = tpu.sem_alloc : memref<!tpu.dma_semaphore, #tpu.memory_space<semaphore_mem>>
            %dma_start3A_79 = tpu.memref_slice %arg4[%multiple_of3A_75] : memref<327680xi32, #tpu.memory_space<hbm>> -> memref<128xi32, #tpu.memory_space<hbm>>
            %dma_start3A_80 = tpu.memref_slice %arg4[%multiple_of3A_75] : memref<327680xi32, #tpu.memory_space<hbm>> -> memref<128xi32, #tpu.memory_space<hbm>>
            tpu.enqueue_dma source(%dma_start3A_80 : memref<128xi32, #tpu.memory_space<hbm>>) target(%arg7 : memref<128xi32, #tpu.memory_space<vmem>>) target_semaphore(%run_scoped3A : memref<!tpu.dma_semaphore, #tpu.memory_space<semaphore_mem>>)
            %dma_wait3A_81 = tpu.memref_slice %arg4[%multiple_of3A_75] : memref<327680xi32, #tpu.memory_space<hbm>> -> memref<128xi32, #tpu.memory_space<hbm>>
            %dma_wait3A_82 = tpu.memref_slice %arg4[%multiple_of3A_75] : memref<327680xi32, #tpu.memory_space<hbm>> -> memref<128xi32, #tpu.memory_space<hbm>>
            tpu.wait_dma2 semaphore(%run_scoped3A : memref<!tpu.dma_semaphore, #tpu.memory_space<semaphore_mem>>) src(%dma_wait3A_82 : memref<128xi32, #tpu.memory_space<hbm>>) dst(%arg7 : memref<128xi32, #tpu.memory_space<vmem>>)
            tpu.yield
          }) : () -> ()
          %dma_start3A_76 = arith.constant 0 : i32
          %dma_start3A_77 = arith.constant 0 : i32
          %dma_start3A_78 = tpu.memref_slice %arg2[%dma_start3A_76, %dma_start3A_77] : memref<10000x128xf32, #tpu.memory_space<hbm>> -> memref<10000x128xf32, #tpu.memory_space<hbm>>
          tpu.enqueue_indirect_dma source(%dma_start3A_78 : memref<10000x128xf32, #tpu.memory_space<hbm>>) target(%arg10 : memref<128x128xf32, #tpu.memory_space<vmem>>) offsets(%arg6 : memref<128xi32, #tpu.memory_space<vmem>>) semaphore(%arg13 : memref<!tpu.dma_semaphore, #tpu.memory_space<semaphore_mem>>)
        } else {
        }
        %dma_wait3A_65 = arith.constant 0 : i32
        %dma_wait3A_66 = arith.constant 0 : i32
        %dma_wait3A_67 = tpu.memref_slice %arg2[%dma_wait3A_65, %dma_wait3A_66] : memref<10000x128xf32, #tpu.memory_space<hbm>> -> memref<10000x128xf32, #tpu.memory_space<hbm>>
        tpu.wait_indirect_dma semaphore(%arg14 : memref<!tpu.dma_semaphore, #tpu.memory_space<semaphore_mem>>) src(%dma_wait3A_67 : memref<10000x128xf32, #tpu.memory_space<hbm>>) dst(%arg11 : memref<128x128xf32, #tpu.memory_space<vmem>>)
        "tpu.region"() ({
          %run_scoped3A = tpu.sem_alloc : memref<!tpu.dma_semaphore, #tpu.memory_space<semaphore_mem>>
          %dma_start3A_68 = arith.constant 0 : i32
          %dma_start3A_69 = arith.constant 0 : i32
          %dma_start3A_70 = tpu.memref_slice %arg12[%dma_start3A_68, %dma_start3A_69] : memref<10240x128xf32, #tpu.memory_space<vmem_shared>> -> memref<10240x128xf32, #tpu.memory_space<vmem_shared>>
          tpu.enqueue_indirect_dma source(%arg11 : memref<128x128xf32, #tpu.memory_space<vmem>>) target(%dma_start3A_70 : memref<10240x128xf32, #tpu.memory_space<vmem_shared>>) offsets(%arg9 : memref<128xi32, #tpu.memory_space<vmem>>) semaphore(%run_scoped3A : memref<!tpu.dma_semaphore, #tpu.memory_space<semaphore_mem>>) {add = true}
          %dma_wait3A_71 = arith.constant 0 : i32
          %dma_wait3A_72 = arith.constant 0 : i32
          %dma_wait3A_73 = tpu.memref_slice %arg12[%dma_wait3A_71, %dma_wait3A_72] : memref<10240x128xf32, #tpu.memory_space<vmem_shared>> -> memref<10240x128xf32, #tpu.memory_space<vmem_shared>>
          tpu.wait_indirect_dma semaphore(%run_scoped3A : memref<!tpu.dma_semaphore, #tpu.memory_space<semaphore_mem>>) src(%arg11 : memref<128x128xf32, #tpu.memory_space<vmem>>) dst(%dma_wait3A_73 : memref<10240x128xf32, #tpu.memory_space<vmem_shared>>)
          tpu.yield
        }) : () -> ()
      } else {
      }
      %scan3A_47 = arith.constant 0 : i32
      scf.yield %scan3A_47 : i32
    }
    %scan3A_35 = arith.constant 58 : i32
    %barrier3A_36 = arith.constant 0 : index
    tpu.barrier barrier_id(%barrier3A_36)
    %scan3A_37 = arith.constant 0 : i32
    %scan3A_38 = arith.constant 0 : i32
    %scan3A_39 = arith.constant 5 : i32
    %scan3A_40 = arith.addi %scan3A_38, %scan3A_39 : i32
    %scan3A_41 = arith.constant 1 : i32
    %scan3A_42 = scf.for %scan3A_44 = %scan3A_38 to %scan3A_40 step %scan3A_41 iter_args(%scan3A_45 = %scan3A_37) -> (i32)  : i32 {
      %mul3A_46 = arith.constant 640 : i32
      %mul3A_47 = arith.muli %arg1, %mul3A_46 : i32
      %mul3A_48 = arith.constant 128 : i32
      %mul3A_49 = arith.muli %scan3A_44, %mul3A_48 : i32
      %add3A_50 = arith.addi %mul3A_47, %mul3A_49 : i32
      "tpu.region"() ({
        %run_scoped3A = tpu.sem_alloc : memref<!tpu.dma_semaphore, #tpu.memory_space<semaphore_mem>>
        %dma_start3A_60 = arith.constant 0 : i32
        %dma_start3A_61 = tpu.memref_slice %arg12[%add3A_50, %dma_start3A_60] : memref<10240x128xf32, #tpu.memory_space<vmem_shared>> -> memref<128x128xf32, #tpu.memory_space<vmem_shared>>
        %dma_start3A_62 = arith.constant 0 : i32
        %dma_start3A_63 = tpu.memref_slice %arg12[%add3A_50, %dma_start3A_62] : memref<10240x128xf32, #tpu.memory_space<vmem_shared>> -> memref<128x128xf32, #tpu.memory_space<vmem_shared>>
        tpu.enqueue_dma source(%dma_start3A_63 : memref<128x128xf32, #tpu.memory_space<vmem_shared>>) target(%arg10 : memref<128x128xf32, #tpu.memory_space<vmem>>) target_semaphore(%run_scoped3A : memref<!tpu.dma_semaphore, #tpu.memory_space<semaphore_mem>>)
        %dma_wait3A = arith.constant 0 : i32
        %dma_wait3A_64 = tpu.memref_slice %arg12[%add3A_50, %dma_wait3A] : memref<10240x128xf32, #tpu.memory_space<vmem_shared>> -> memref<128x128xf32, #tpu.memory_space<vmem_shared>>
        %dma_wait3A_65 = arith.constant 0 : i32
        %dma_wait3A_66 = tpu.memref_slice %arg12[%add3A_50, %dma_wait3A_65] : memref<10240x128xf32, #tpu.memory_space<vmem_shared>> -> memref<128x128xf32, #tpu.memory_space<vmem_shared>>
        tpu.wait_dma2 semaphore(%run_scoped3A : memref<!tpu.dma_semaphore, #tpu.memory_space<semaphore_mem>>) src(%dma_wait3A_66 : memref<128x128xf32, #tpu.memory_space<vmem_shared>>) dst(%arg10 : memref<128x128xf32, #tpu.memory_space<vmem>>)
        tpu.yield
      }) : () -> ()
      %mul3A_51 = arith.constant 10240 : i32
      %mul3A_52 = arith.muli %arg0, %mul3A_51 : i32
      %mul3A_53 = arith.constant 640 : i32
      %mul3A_54 = arith.muli %arg1, %mul3A_53 : i32
      %add3A_55 = arith.addi %mul3A_52, %mul3A_54 : i32
      %mul3A_56 = arith.constant 128 : i32
      %mul3A_57 = arith.muli %scan3A_44, %mul3A_56 : i32
      %add3A_58 = arith.addi %add3A_55, %mul3A_57 : i32
      "tpu.region"() ({
        %run_scoped3A = tpu.sem_alloc : memref<!tpu.dma_semaphore, #tpu.memory_space<semaphore_mem>>
        %dma_start3A_60 = arith.constant 0 : i32
        %dma_start3A_61 = tpu.memref_slice %arg5[%add3A_58, %dma_start3A_60] : memref<20480x128xf32, #tpu.memory_space<hbm>> -> memref<128x128xf32, #tpu.memory_space<hbm>>
        %dma_start3A_62 = arith.constant 0 : i32
        %dma_start3A_63 = tpu.memref_slice %arg5[%add3A_58, %dma_start3A_62] : memref<20480x128xf32, #tpu.memory_space<hbm>> -> memref<128x128xf32, #tpu.memory_space<hbm>>
        tpu.enqueue_dma source(%arg10 : memref<128x128xf32, #tpu.memory_space<vmem>>) target(%dma_start3A_63 : memref<128x128xf32, #tpu.memory_space<hbm>>) target_semaphore(%run_scoped3A : memref<!tpu.dma_semaphore, #tpu.memory_space<semaphore_mem>>)
        %dma_wait3A = arith.constant 0 : i32
        %dma_wait3A_64 = tpu.memref_slice %arg5[%add3A_58, %dma_wait3A] : memref<20480x128xf32, #tpu.memory_space<hbm>> -> memref<128x128xf32, #tpu.memory_space<hbm>>
        %dma_wait3A_65 = arith.constant 0 : i32
        %dma_wait3A_66 = tpu.memref_slice %arg5[%add3A_58, %dma_wait3A_65] : memref<20480x128xf32, #tpu.memory_space<hbm>> -> memref<128x128xf32, #tpu.memory_space<hbm>>
        tpu.wait_dma2 semaphore(%run_scoped3A : memref<!tpu.dma_semaphore, #tpu.memory_space<semaphore_mem>>) src(%arg10 : memref<128x128xf32, #tpu.memory_space<vmem>>) dst(%dma_wait3A_66 : memref<128x128xf32, #tpu.memory_space<hbm>>)
        tpu.yield
      }) : () -> ()
      %scan3A_59 = arith.constant 0 : i32
      scf.yield %scan3A_59 : i32
    }
    %scan3A_43 = arith.constant 5 : i32
    return
  }
}

#map = affine_map<(d0, d1) -> (0, 0)>
#map1 = affine_map<(d0, d1) -> (0)>
module attributes {stable_mosaic.version = 14 : i64} {
  func.func @_agg_kernel(%arg0: i32, %arg1: i32, %arg2: memref<10000x128xf32, #tpu.memory_space<hbm>>, %arg3: memref<327680xi32, #tpu.memory_space<hbm>>, %arg4: memref<327680xi32, #tpu.memory_space<hbm>>, %arg5: memref<20480x128xf32, #tpu.memory_space<hbm>>, %arg6: memref<128xi32, #tpu.memory_space<vmem>>, %arg7: memref<128xi32, #tpu.memory_space<vmem>>, %arg8: memref<128xi32, #tpu.memory_space<vmem>>, %arg9: memref<128xi32, #tpu.memory_space<vmem>>, %arg10: memref<128x128xf32, #tpu.memory_space<vmem>>, %arg11: memref<128x128xf32, #tpu.memory_space<vmem>>, %arg12: memref<10240x128xf32, #tpu.memory_space<vmem_shared>>, %arg13: memref<!tpu.dma_semaphore, #tpu.memory_space<semaphore_mem>>, %arg14: memref<!tpu.dma_semaphore, #tpu.memory_space<semaphore_mem>>) attributes {dimension_semantics = [#tpu.dimension_semantics<core_parallel>, #tpu.dimension_semantics<subcore_parallel>], iteration_bounds = array<i64: 2, 16>, scalar_prefetch = 0 : i64, scratch_operands = 9 : i64, tpu.core_type = #tpu.core_type<sc_vector_subcore>, window_params = [{transform_indices = #map}, {transform_indices = #map1}, {transform_indices = #map1}, {transform_indices = #map}]} {
    %broadcast_in_dim3A = arith.constant 0.000000e+00 : f32
    %broadcast_in_dim3A_0 = vector.broadcast %broadcast_in_dim3A : f32 to vector<16xf32>
    %scan3A = arith.constant 0 : i32
    %scan3A_1 = arith.constant 0 : i32
    %scan3A_2 = arith.constant 128 : i32
    %scan3A_3 = arith.addi %scan3A_1, %scan3A_2 : i32
    %scan3A_4 = arith.constant 1 : i32
    %scan3A_5 = scf.for %scan3A_44 = %scan3A_1 to %scan3A_3 step %scan3A_4 iter_args(%scan3A_45 = %scan3A) -> (i32)  : i32 {
      %scan3A_46 = arith.constant 0 : i32
      %scan3A_47 = arith.constant 0 : i32
      %scan3A_48 = arith.constant 8 : i32
      %scan3A_49 = arith.addi %scan3A_47, %scan3A_48 : i32
      %scan3A_50 = arith.constant 1 : i32
      %scan3A_51 = scf.for %scan3A_54 = %scan3A_47 to %scan3A_49 step %scan3A_50 iter_args(%scan3A_55 = %scan3A_46) -> (i32)  : i32 {
        %mul3A_56 = arith.constant 16 : i32
        %mul3A_57 = arith.muli %scan3A_54, %mul3A_56 : i32
        %swap3A = arith.index_cast %scan3A_44 : i32 to index
        %swap3A_58 = arith.index_cast %mul3A_57 : i32 to index
        %swap3A_59 = tpu.vector_load %arg10[%swap3A, %swap3A_58] {strides = array<i32>} : memref<128x128xf32, #tpu.memory_space<vmem>>, vector<1x16xf32>,
        %swap3A_60 = vector.shape_cast %swap3A_59 : vector<1x16xf32> to vector<16xf32>
        %swap3A_61 = vector.shape_cast %broadcast_in_dim3A_0 : vector<16xf32> to vector<1x16xf32>
        tpu.vector_store %arg10[%swap3A, %swap3A_58], %swap3A_61 {strides = array<i32>} : memref<128x128xf32, #tpu.memory_space<vmem>>, vector<1x16xf32>,
        %scan3A_62 = arith.constant 0 : i32
        scf.yield %scan3A_62 : i32
      }
      %scan3A_52 = arith.constant 8 : i32
      %scan3A_53 = arith.constant 0 : i32
      scf.yield %scan3A_53 : i32
    }
    %scan3A_6 = arith.constant 128 : i32
    %scan3A_7 = arith.constant 0 : i32
    %scan3A_8 = arith.constant 0 : i32
    %scan3A_9 = arith.constant 5 : i32
    %scan3A_10 = arith.addi %scan3A_8, %scan3A_9 : i32
    %scan3A_11 = arith.constant 1 : i32
    %scan3A_12 = scf.for %scan3A_44 = %scan3A_8 to %scan3A_10 step %scan3A_11 iter_args(%scan3A_45 = %scan3A_7) -> (i32)  : i32 {
      %mul3A_46 = arith.constant 640 : i32
      %mul3A_47 = arith.muli %arg1, %mul3A_46 : i32
      %mul3A_48 = arith.constant 128 : i32
      %mul3A_49 = arith.muli %scan3A_44, %mul3A_48 : i32
      %add3A_50 = arith.addi %mul3A_47, %mul3A_49 : i32
      "tpu.region"() ({
        %run_scoped3A = tpu.sem_alloc : memref<!tpu.dma_semaphore, #tpu.memory_space<semaphore_mem>>
        %dma_start3A_52 = arith.constant 0 : i32
        %dma_start3A_53 = tpu.memref_slice %arg12[%add3A_50, %dma_start3A_52] : memref<10240x128xf32, #tpu.memory_space<vmem_shared>> -> memref<128x128xf32, #tpu.memory_space<vmem_shared>>
        %dma_start3A_54 = arith.constant 0 : i32
        %dma_start3A_55 = tpu.memref_slice %arg12[%add3A_50, %dma_start3A_54] : memref<10240x128xf32, #tpu.memory_space<vmem_shared>> -> memref<128x128xf32, #tpu.memory_space<vmem_shared>>
        tpu.enqueue_dma source(%arg10 : memref<128x128xf32, #tpu.memory_space<vmem>>) target(%dma_start3A_55 : memref<128x128xf32, #tpu.memory_space<vmem_shared>>) target_semaphore(%run_scoped3A : memref<!tpu.dma_semaphore, #tpu.memory_space<semaphore_mem>>)
        %dma_wait3A = arith.constant 0 : i32
        %dma_wait3A_56 = tpu.memref_slice %arg12[%add3A_50, %dma_wait3A] : memref<10240x128xf32, #tpu.memory_space<vmem_shared>> -> memref<128x128xf32, #tpu.memory_space<vmem_shared>>
        %dma_wait3A_57 = arith.constant 0 : i32
        %dma_wait3A_58 = tpu.memref_slice %arg12[%add3A_50, %dma_wait3A_57] : memref<10240x128xf32, #tpu.memory_space<vmem_shared>> -> memref<128x128xf32, #tpu.memory_space<vmem_shared>>
        tpu.wait_dma2 semaphore(%run_scoped3A : memref<!tpu.dma_semaphore, #tpu.memory_space<semaphore_mem>>) src(%arg10 : memref<128x128xf32, #tpu.memory_space<vmem>>) dst(%dma_wait3A_58 : memref<128x128xf32, #tpu.memory_space<vmem_shared>>)
        tpu.yield
      }) : () -> ()
      %scan3A_51 = arith.constant 0 : i32
      scf.yield %scan3A_51 : i32
    }
    %scan3A_13 = arith.constant 5 : i32
    %barrier3A = arith.constant 0 : index
    tpu.barrier barrier_id(%barrier3A)
    %eq3A = arith.constant 0 : i32
    %eq3A_14 = arith.cmpi eq, %arg0, %eq3A : i32
    %jit3A = arith.constant 58 : i32
    %jit3A_15 = arith.constant 22 : i32
    %select_n3A = arith.select %eq3A_14, %jit3A, %jit3A_15 : i32
    %eq3A_16 = arith.constant 0 : i32
    %eq3A_17 = arith.cmpi eq, %arg0, %eq3A_16 : i32
    %mul3A = arith.constant 116 : i32
    %mul3A_18 = arith.muli %arg1, %mul3A : i32
    %mul3A_19 = arith.constant 44 : i32
    %mul3A_20 = arith.muli %arg1, %mul3A_19 : i32
    %add3A = arith.constant 1856 : i32
    %add3A_21 = arith.addi %add3A, %mul3A_20 : i32
    %select_n3A_22 = arith.select %eq3A_17, %mul3A_18, %add3A_21 : i32
    %mul3A_23 = arith.constant 128 : i32
    %mul3A_24 = arith.muli %select_n3A_22, %mul3A_23 : i32
    "tpu.region"() ({
      %run_scoped3A = tpu.sem_alloc : memref<!tpu.dma_semaphore, #tpu.memory_space<semaphore_mem>>
      %dma_start3A_44 = tpu.memref_slice %arg3[%mul3A_24] : memref<327680xi32, #tpu.memory_space<hbm>> -> memref<128xi32, #tpu.memory_space<hbm>>
      %dma_start3A_45 = tpu.memref_slice %arg3[%mul3A_24] : memref<327680xi32, #tpu.memory_space<hbm>> -> memref<128xi32, #tpu.memory_space<hbm>>
      tpu.enqueue_dma source(%dma_start3A_45 : memref<128xi32, #tpu.memory_space<hbm>>) target(%arg6 : memref<128xi32, #tpu.memory_space<vmem>>) target_semaphore(%run_scoped3A : memref<!tpu.dma_semaphore, #tpu.memory_space<semaphore_mem>>)
      %dma_wait3A = tpu.memref_slice %arg3[%mul3A_24] : memref<327680xi32, #tpu.memory_space<hbm>> -> memref<128xi32, #tpu.memory_space<hbm>>
      %dma_wait3A_46 = tpu.memref_slice %arg3[%mul3A_24] : memref<327680xi32, #tpu.memory_space<hbm>> -> memref<128xi32, #tpu.memory_space<hbm>>
      tpu.wait_dma2 semaphore(%run_scoped3A : memref<!tpu.dma_semaphore, #tpu.memory_space<semaphore_mem>>) src(%dma_wait3A_46 : memref<128xi32, #tpu.memory_space<hbm>>) dst(%arg6 : memref<128xi32, #tpu.memory_space<vmem>>)
      tpu.yield
    }) : () -> ()
    %mul3A_25 = arith.constant 128 : i32
    %mul3A_26 = arith.muli %select_n3A_22, %mul3A_25 : i32
    "tpu.region"() ({
      %run_scoped3A = tpu.sem_alloc : memref<!tpu.dma_semaphore, #tpu.memory_space<semaphore_mem>>
      %dma_start3A_44 = tpu.memref_slice %arg4[%mul3A_26] : memref<327680xi32, #tpu.memory_space<hbm>> -> memref<128xi32, #tpu.memory_space<hbm>>
      %dma_start3A_45 = tpu.memref_slice %arg4[%mul3A_26] : memref<327680xi32, #tpu.memory_space<hbm>> -> memref<128xi32, #tpu.memory_space<hbm>>
      tpu.enqueue_dma source(%dma_start3A_45 : memref<128xi32, #tpu.memory_space<hbm>>) target(%arg7 : memref<128xi32, #tpu.memory_space<vmem>>) target_semaphore(%run_scoped3A : memref<!tpu.dma_semaphore, #tpu.memory_space<semaphore_mem>>)
      %dma_wait3A = tpu.memref_slice %arg4[%mul3A_26] : memref<327680xi32, #tpu.memory_space<hbm>> -> memref<128xi32, #tpu.memory_space<hbm>>
      %dma_wait3A_46 = tpu.memref_slice %arg4[%mul3A_26] : memref<327680xi32, #tpu.memory_space<hbm>> -> memref<128xi32, #tpu.memory_space<hbm>>
      tpu.wait_dma2 semaphore(%run_scoped3A : memref<!tpu.dma_semaphore, #tpu.memory_space<semaphore_mem>>) src(%dma_wait3A_46 : memref<128xi32, #tpu.memory_space<hbm>>) dst(%arg7 : memref<128xi32, #tpu.memory_space<vmem>>)
      tpu.yield
    }) : () -> ()
    %dma_start3A = arith.constant 0 : i32
    %dma_start3A_27 = arith.constant 0 : i32
    %dma_start3A_28 = tpu.memref_slice %arg2[%dma_start3A, %dma_start3A_27] : memref<10000x128xf32, #tpu.memory_space<hbm>> -> memref<10000x128xf32, #tpu.memory_space<hbm>>
    tpu.enqueue_indirect_dma source(%dma_start3A_28 : memref<10000x128xf32, #tpu.memory_space<hbm>>) target(%arg10 : memref<128x128xf32, #tpu.memory_space<vmem>>) offsets(%arg6 : memref<128xi32, #tpu.memory_space<vmem>>) semaphore(%arg13 : memref<!tpu.dma_semaphore, #tpu.memory_space<semaphore_mem>>)
    %scan3A_29 = arith.constant 0 : i32
    %scan3A_30 = arith.constant 0 : i32
    %scan3A_31 = arith.constant 58 : i32
    %scan3A_32 = arith.addi %scan3A_30, %scan3A_31 : i32
    %scan3A_33 = arith.constant 1 : i32
    %scan3A_34 = scf.for %scan3A_44 = %scan3A_30 to %scan3A_32 step %scan3A_33 iter_args(%scan3A_45 = %scan3A_29) -> (i32)  : i32 {
      %lt3A = arith.cmpi slt, %scan3A_44, %select_n3A : i32
      %convert_element_type3A = arith.extui %lt3A : i1 to i32
      %cond3A = arith.constant 0 : i32
      %cond3A_46 = arith.cmpi ne, %convert_element_type3A, %cond3A : i32
      scf.if %cond3A_46 {
        %mul3A_48 = arith.constant 2 : i32
        %mul3A_49 = arith.muli %mul3A_48, %scan3A_44 : i32
        %add3A_50 = arith.addi %select_n3A_22, %mul3A_49 : i32
        %add3A_51 = arith.constant 1 : i32
        %add3A_52 = arith.addi %add3A_50, %add3A_51 : i32
        %mul3A_53 = arith.constant 128 : i32
        %mul3A_54 = arith.muli %add3A_52, %mul3A_53 : i32
        %multiple_of3A = tpu.assume_multiple %mul3A_54, 8 : i32
        "tpu.region"() ({
          %run_scoped3A = tpu.sem_alloc : memref<!tpu.dma_semaphore, #tpu.memory_space<semaphore_mem>>
          %dma_start3A_68 = tpu.memref_slice %arg3[%multiple_of3A] : memref<327680xi32, #tpu.memory_space<hbm>> -> memref<128xi32, #tpu.memory_space<hbm>>
          %dma_start3A_69 = tpu.memref_slice %arg3[%multiple_of3A] : memref<327680xi32, #tpu.memory_space<hbm>> -> memref<128xi32, #tpu.memory_space<hbm>>
          tpu.enqueue_dma source(%dma_start3A_69 : memref<128xi32, #tpu.memory_space<hbm>>) target(%arg8 : memref<128xi32, #tpu.memory_space<vmem>>) target_semaphore(%run_scoped3A : memref<!tpu.dma_semaphore, #tpu.memory_space<semaphore_mem>>)
          %dma_wait3A_70 = tpu.memref_slice %arg3[%multiple_of3A] : memref<327680xi32, #tpu.memory_space<hbm>> -> memref<128xi32, #tpu.memory_space<hbm>>
          %dma_wait3A_71 = tpu.memref_slice %arg3[%multiple_of3A] : memref<327680xi32, #tpu.memory_space<hbm>> -> memref<128xi32, #tpu.memory_space<hbm>>
          tpu.wait_dma2 semaphore(%run_scoped3A : memref<!tpu.dma_semaphore, #tpu.memory_space<semaphore_mem>>) src(%dma_wait3A_71 : memref<128xi32, #tpu.memory_space<hbm>>) dst(%arg8 : memref<128xi32, #tpu.memory_space<vmem>>)
          tpu.yield
        }) : () -> ()
        "tpu.region"() ({
          %run_scoped3A = tpu.sem_alloc : memref<!tpu.dma_semaphore, #tpu.memory_space<semaphore_mem>>
          %dma_start3A_68 = tpu.memref_slice %arg4[%multiple_of3A] : memref<327680xi32, #tpu.memory_space<hbm>> -> memref<128xi32, #tpu.memory_space<hbm>>
          %dma_start3A_69 = tpu.memref_slice %arg4[%multiple_of3A] : memref<327680xi32, #tpu.memory_space<hbm>> -> memref<128xi32, #tpu.memory_space<hbm>>
          tpu.enqueue_dma source(%dma_start3A_69 : memref<128xi32, #tpu.memory_space<hbm>>) target(%arg9 : memref<128xi32, #tpu.memory_space<vmem>>) target_semaphore(%run_scoped3A : memref<!tpu.dma_semaphore, #tpu.memory_space<semaphore_mem>>)
          %dma_wait3A_70 = tpu.memref_slice %arg4[%multiple_of3A] : memref<327680xi32, #tpu.memory_space<hbm>> -> memref<128xi32, #tpu.memory_space<hbm>>
          %dma_wait3A_71 = tpu.memref_slice %arg4[%multiple_of3A] : memref<327680xi32, #tpu.memory_space<hbm>> -> memref<128xi32, #tpu.memory_space<hbm>>
          tpu.wait_dma2 semaphore(%run_scoped3A : memref<!tpu.dma_semaphore, #tpu.memory_space<semaphore_mem>>) src(%dma_wait3A_71 : memref<128xi32, #tpu.memory_space<hbm>>) dst(%arg9 : memref<128xi32, #tpu.memory_space<vmem>>)
          tpu.yield
        }) : () -> ()
        %dma_start3A_55 = arith.constant 0 : i32
        %dma_start3A_56 = arith.constant 0 : i32
        %dma_start3A_57 = tpu.memref_slice %arg2[%dma_start3A_55, %dma_start3A_56] : memref<10000x128xf32, #tpu.memory_space<hbm>> -> memref<10000x128xf32, #tpu.memory_space<hbm>>
        tpu.enqueue_indirect_dma source(%dma_start3A_57 : memref<10000x128xf32, #tpu.memory_space<hbm>>) target(%arg11 : memref<128x128xf32, #tpu.memory_space<vmem>>) offsets(%arg8 : memref<128xi32, #tpu.memory_space<vmem>>) semaphore(%arg14 : memref<!tpu.dma_semaphore, #tpu.memory_space<semaphore_mem>>)
        %dma_wait3A = arith.constant 0 : i32
        %dma_wait3A_58 = arith.constant 0 : i32
        %dma_wait3A_59 = tpu.memref_slice %arg2[%dma_wait3A, %dma_wait3A_58] : memref<10000x128xf32, #tpu.memory_space<hbm>> -> memref<10000x128xf32, #tpu.memory_space<hbm>>
        tpu.wait_indirect_dma semaphore(%arg13 : memref<!tpu.dma_semaphore, #tpu.memory_space<semaphore_mem>>) src(%dma_wait3A_59 : memref<10000x128xf32, #tpu.memory_space<hbm>>) dst(%arg10 : memref<128x128xf32, #tpu.memory_space<vmem>>)
        "tpu.region"() ({
          %run_scoped3A = tpu.sem_alloc : memref<!tpu.dma_semaphore, #tpu.memory_space<semaphore_mem>>
          %dma_start3A_68 = arith.constant 0 : i32
          %dma_start3A_69 = arith.constant 0 : i32
          %dma_start3A_70 = tpu.memref_slice %arg12[%dma_start3A_68, %dma_start3A_69] : memref<10240x128xf32, #tpu.memory_space<vmem_shared>> -> memref<10240x128xf32, #tpu.memory_space<vmem_shared>>
          tpu.enqueue_indirect_dma source(%arg10 : memref<128x128xf32, #tpu.memory_space<vmem>>) target(%dma_start3A_70 : memref<10240x128xf32, #tpu.memory_space<vmem_shared>>) offsets(%arg7 : memref<128xi32, #tpu.memory_space<vmem>>) semaphore(%run_scoped3A : memref<!tpu.dma_semaphore, #tpu.memory_space<semaphore_mem>>) {add = true}
          %dma_wait3A_71 = arith.constant 0 : i32
          %dma_wait3A_72 = arith.constant 0 : i32
          %dma_wait3A_73 = tpu.memref_slice %arg12[%dma_wait3A_71, %dma_wait3A_72] : memref<10240x128xf32, #tpu.memory_space<vmem_shared>> -> memref<10240x128xf32, #tpu.memory_space<vmem_shared>>
          tpu.wait_indirect_dma semaphore(%run_scoped3A : memref<!tpu.dma_semaphore, #tpu.memory_space<semaphore_mem>>) src(%arg10 : memref<128x128xf32, #tpu.memory_space<vmem>>) dst(%dma_wait3A_73 : memref<10240x128xf32, #tpu.memory_space<vmem_shared>>)
          tpu.yield
        }) : () -> ()
        %sub3A = arith.constant 1 : i32
        %sub3A_60 = arith.subi %select_n3A, %sub3A : i32
        %lt3A_61 = arith.cmpi slt, %scan3A_44, %sub3A_60 : i32
        %convert_element_type3A_62 = arith.extui %lt3A_61 : i1 to i32
        %cond3A_63 = arith.constant 0 : i32
        %cond3A_64 = arith.cmpi ne, %convert_element_type3A_62, %cond3A_63 : i32
        scf.if %cond3A_64 {
          %mul3A_68 = arith.constant 2 : i32
          %mul3A_69 = arith.muli %mul3A_68, %scan3A_44 : i32
          %add3A_70 = arith.addi %select_n3A_22, %mul3A_69 : i32
          %add3A_71 = arith.constant 2 : i32
          %add3A_72 = arith.addi %add3A_70, %add3A_71 : i32
          %mul3A_73 = arith.constant 128 : i32
          %mul3A_74 = arith.muli %add3A_72, %mul3A_73 : i32
          %multiple_of3A_75 = tpu.assume_multiple %mul3A_74, 8 : i32
          "tpu.region"() ({
            %run_scoped3A = tpu.sem_alloc : memref<!tpu.dma_semaphore, #tpu.memory_space<semaphore_mem>>
            %dma_start3A_79 = tpu.memref_slice %arg3[%multiple_of3A_75] : memref<327680xi32, #tpu.memory_space<hbm>> -> memref<128xi32, #tpu.memory_space<hbm>>
            %dma_start3A_80 = tpu.memref_slice %arg3[%multiple_of3A_75] : memref<327680xi32, #tpu.memory_space<hbm>> -> memref<128xi32, #tpu.memory_space<hbm>>
            tpu.enqueue_dma source(%dma_start3A_80 : memref<128xi32, #tpu.memory_space<hbm>>) target(%arg6 : memref<128xi32, #tpu.memory_space<vmem>>) target_semaphore(%run_scoped3A : memref<!tpu.dma_semaphore, #tpu.memory_space<semaphore_mem>>)
            %dma_wait3A_81 = tpu.memref_slice %arg3[%multiple_of3A_75] : memref<327680xi32, #tpu.memory_space<hbm>> -> memref<128xi32, #tpu.memory_space<hbm>>
            %dma_wait3A_82 = tpu.memref_slice %arg3[%multiple_of3A_75] : memref<327680xi32, #tpu.memory_space<hbm>> -> memref<128xi32, #tpu.memory_space<hbm>>
            tpu.wait_dma2 semaphore(%run_scoped3A : memref<!tpu.dma_semaphore, #tpu.memory_space<semaphore_mem>>) src(%dma_wait3A_82 : memref<128xi32, #tpu.memory_space<hbm>>) dst(%arg6 : memref<128xi32, #tpu.memory_space<vmem>>)
            tpu.yield
          }) : () -> ()
          "tpu.region"() ({
            %run_scoped3A = tpu.sem_alloc : memref<!tpu.dma_semaphore, #tpu.memory_space<semaphore_mem>>
            %dma_start3A_79 = tpu.memref_slice %arg4[%multiple_of3A_75] : memref<327680xi32, #tpu.memory_space<hbm>> -> memref<128xi32, #tpu.memory_space<hbm>>
            %dma_start3A_80 = tpu.memref_slice %arg4[%multiple_of3A_75] : memref<327680xi32, #tpu.memory_space<hbm>> -> memref<128xi32, #tpu.memory_space<hbm>>
            tpu.enqueue_dma source(%dma_start3A_80 : memref<128xi32, #tpu.memory_space<hbm>>) target(%arg7 : memref<128xi32, #tpu.memory_space<vmem>>) target_semaphore(%run_scoped3A : memref<!tpu.dma_semaphore, #tpu.memory_space<semaphore_mem>>)
            %dma_wait3A_81 = tpu.memref_slice %arg4[%multiple_of3A_75] : memref<327680xi32, #tpu.memory_space<hbm>> -> memref<128xi32, #tpu.memory_space<hbm>>
            %dma_wait3A_82 = tpu.memref_slice %arg4[%multiple_of3A_75] : memref<327680xi32, #tpu.memory_space<hbm>> -> memref<128xi32, #tpu.memory_space<hbm>>
            tpu.wait_dma2 semaphore(%run_scoped3A : memref<!tpu.dma_semaphore, #tpu.memory_space<semaphore_mem>>) src(%dma_wait3A_82 : memref<128xi32, #tpu.memory_space<hbm>>) dst(%arg7 : memref<128xi32, #tpu.memory_space<vmem>>)
            tpu.yield
          }) : () -> ()
          %dma_start3A_76 = arith.constant 0 : i32
          %dma_start3A_77 = arith.constant 0 : i32
          %dma_start3A_78 = tpu.memref_slice %arg2[%dma_start3A_76, %dma_start3A_77] : memref<10000x128xf32, #tpu.memory_space<hbm>> -> memref<10000x128xf32, #tpu.memory_space<hbm>>
          tpu.enqueue_indirect_dma source(%dma_start3A_78 : memref<10000x128xf32, #tpu.memory_space<hbm>>) target(%arg10 : memref<128x128xf32, #tpu.memory_space<vmem>>) offsets(%arg6 : memref<128xi32, #tpu.memory_space<vmem>>) semaphore(%arg13 : memref<!tpu.dma_semaphore, #tpu.memory_space<semaphore_mem>>)
        } else {
        }
        %dma_wait3A_65 = arith.constant 0 : i32
        %dma_wait3A_66 = arith.constant 0 : i32
        %dma_wait3A_67 = tpu.memref_slice %arg2[%dma_wait3A_65, %dma_wait3A_66] : memref<10000x128xf32, #tpu.memory_space<hbm>> -> memref<10000x128xf32, #tpu.memory_space<hbm>>
        tpu.wait_indirect_dma semaphore(%arg14 : memref<!tpu.dma_semaphore, #tpu.memory_space<semaphore_mem>>) src(%dma_wait3A_67 : memref<10000x128xf32, #tpu.memory_space<hbm>>) dst(%arg11 : memref<128x128xf32, #tpu.memory_space<vmem>>)
        "tpu.region"() ({
          %run_scoped3A = tpu.sem_alloc : memref<!tpu.dma_semaphore, #tpu.memory_space<semaphore_mem>>
          %dma_start3A_68 = arith.constant 0 : i32
          %dma_start3A_69 = arith.constant 0 : i32
          %dma_start3A_70 = tpu.memref_slice %arg12[%dma_start3A_68, %dma_start3A_69] : memref<10240x128xf32, #tpu.memory_space<vmem_shared>> -> memref<10240x128xf32, #tpu.memory_space<vmem_shared>>
          tpu.enqueue_indirect_dma source(%arg11 : memref<128x128xf32, #tpu.memory_space<vmem>>) target(%dma_start3A_70 : memref<10240x128xf32, #tpu.memory_space<vmem_shared>>) offsets(%arg9 : memref<128xi32, #tpu.memory_space<vmem>>) semaphore(%run_scoped3A : memref<!tpu.dma_semaphore, #tpu.memory_space<semaphore_mem>>) {add = true}
          %dma_wait3A_71 = arith.constant 0 : i32
          %dma_wait3A_72 = arith.constant 0 : i32
          %dma_wait3A_73 = tpu.memref_slice %arg12[%dma_wait3A_71, %dma_wait3A_72] : memref<10240x128xf32, #tpu.memory_space<vmem_shared>> -> memref<10240x128xf32, #tpu.memory_space<vmem_shared>>
          tpu.wait_indirect_dma semaphore(%run_scoped3A : memref<!tpu.dma_semaphore, #tpu.memory_space<semaphore_mem>>) src(%arg11 : memref<128x128xf32, #tpu.memory_space<vmem>>) dst(%dma_wait3A_73 : memref<10240x128xf32, #tpu.memory_space<vmem_shared>>)
          tpu.yield
        }) : () -> ()
      } else {
      }
      %scan3A_47 = arith.constant 0 : i32
      scf.yield %scan3A_47 : i32
    }
    %scan3A_35 = arith.constant 58 : i32
    %barrier3A_36 = arith.constant 0 : index
    tpu.barrier barrier_id(%barrier3A_36)
    %scan3A_37 = arith.constant 0 : i32
    %scan3A_38 = arith.constant 0 : i32
    %scan3A_39 = arith.constant 5 : i32
    %scan3A_40 = arith.addi %scan3A_38, %scan3A_39 : i32
    %scan3A_41 = arith.constant 1 : i32
    %scan3A_42 = scf.for %scan3A_44 = %scan3A_38 to %scan3A_40 step %scan3A_41 iter_args(%scan3A_45 = %scan3A_37) -> (i32)  : i32 {
      %mul3A_46 = arith.constant 640 : i32
      %mul3A_47 = arith.muli %arg1, %mul3A_46 : i32
      %mul3A_48 = arith.constant 128 : i32
      %mul3A_49 = arith.muli %scan3A_44, %mul3A_48 : i32
      %add3A_50 = arith.addi %mul3A_47, %mul3A_49 : i32
      "tpu.region"() ({
        %run_scoped3A = tpu.sem_alloc : memref<!tpu.dma_semaphore, #tpu.memory_space<semaphore_mem>>
        %dma_start3A_60 = arith.constant 0 : i32
        %dma_start3A_61 = tpu.memref_slice %arg12[%add3A_50, %dma_start3A_60] : memref<10240x128xf32, #tpu.memory_space<vmem_shared>> -> memref<128x128xf32, #tpu.memory_space<vmem_shared>>
        %dma_start3A_62 = arith.constant 0 : i32
        %dma_start3A_63 = tpu.memref_slice %arg12[%add3A_50, %dma_start3A_62] : memref<10240x128xf32, #tpu.memory_space<vmem_shared>> -> memref<128x128xf32, #tpu.memory_space<vmem_shared>>
        tpu.enqueue_dma source(%dma_start3A_63 : memref<128x128xf32, #tpu.memory_space<vmem_shared>>) target(%arg10 : memref<128x128xf32, #tpu.memory_space<vmem>>) target_semaphore(%run_scoped3A : memref<!tpu.dma_semaphore, #tpu.memory_space<semaphore_mem>>)
        %dma_wait3A = arith.constant 0 : i32
        %dma_wait3A_64 = tpu.memref_slice %arg12[%add3A_50, %dma_wait3A] : memref<10240x128xf32, #tpu.memory_space<vmem_shared>> -> memref<128x128xf32, #tpu.memory_space<vmem_shared>>
        %dma_wait3A_65 = arith.constant 0 : i32
        %dma_wait3A_66 = tpu.memref_slice %arg12[%add3A_50, %dma_wait3A_65] : memref<10240x128xf32, #tpu.memory_space<vmem_shared>> -> memref<128x128xf32, #tpu.memory_space<vmem_shared>>
        tpu.wait_dma2 semaphore(%run_scoped3A : memref<!tpu.dma_semaphore, #tpu.memory_space<semaphore_mem>>) src(%dma_wait3A_66 : memref<128x128xf32, #tpu.memory_space<vmem_shared>>) dst(%arg10 : memref<128x128xf32, #tpu.memory_space<vmem>>)
        tpu.yield
      }) : () -> ()
      %mul3A_51 = arith.constant 10240 : i32
      %mul3A_52 = arith.muli %arg0, %mul3A_51 : i32
      %mul3A_53 = arith.constant 640 : i32
      %mul3A_54 = arith.muli %arg1, %mul3A_53 : i32
      %add3A_55 = arith.addi %mul3A_52, %mul3A_54 : i32
      %mul3A_56 = arith.constant 128 : i32
      %mul3A_57 = arith.muli %scan3A_44, %mul3A_56 : i32
      %add3A_58 = arith.addi %add3A_55, %mul3A_57 : i32
      "tpu.region"() ({
        %run_scoped3A = tpu.sem_alloc : memref<!tpu.dma_semaphore, #tpu.memory_space<semaphore_mem>>
        %dma_start3A_60 = arith.constant 0 : i32
        %dma_start3A_61 = tpu.memref_slice %arg5[%add3A_58, %dma_start3A_60] : memref<20480x128xf32, #tpu.memory_space<hbm>> -> memref<128x128xf32, #tpu.memory_space<hbm>>
        %dma_start3A_62 = arith.constant 0 : i32
        %dma_start3A_63 = tpu.memref_slice %arg5[%add3A_58, %dma_start3A_62] : memref<20480x128xf32, #tpu.memory_space<hbm>> -> memref<128x128xf32, #tpu.memory_space<hbm>>
        tpu.enqueue_dma source(%arg10 : memref<128x128xf32, #tpu.memory_space<vmem>>) target(%dma_start3A_63 : memref<128x128xf32, #tpu.memory_space<hbm>>) target_semaphore(%run_scoped3A : memref<!tpu.dma_semaphore, #tpu.memory_space<semaphore_mem>>)
        %dma_wait3A = arith.constant 0 : i32
        %dma_wait3A_64 = tpu.memref_slice %arg5[%add3A_58, %dma_wait3A] : memref<20480x128xf32, #tpu.memory_space<hbm>> -> memref<128x128xf32, #tpu.memory_space<hbm>>
        %dma_wait3A_65 = arith.constant 0 : i32
        %dma_wait3A_66 = tpu.memref_slice %arg5[%add3A_58, %dma_wait3A_65] : memref<20480x128xf32, #tpu.memory_space<hbm>> -> memref<128x128xf32, #tpu.memory_space<hbm>>
        tpu.wait_dma2 semaphore(%run_scoped3A : memref<!tpu.dma_semaphore, #tpu.memory_space<semaphore_mem>>) src(%arg10 : memref<128x128xf32, #tpu.memory_space<vmem>>) dst(%dma_wait3A_66 : memref<128x128xf32, #tpu.memory_space<hbm>>)
        tpu.yield
      }) : () -> ()
      %scan3A_59 = arith.constant 0 : i32
      scf.yield %scan3A_59 : i32
    }
    %scan3A_43 = arith.constant 5 : i32
    return
  }
}

module attributes {stable_mosaic.version = 14 : i64} {
  func.func @_mm1_body(%arg0: memref<10000x128xf32, #tpu.memory_space<vmem>>, %arg1: memref<128x128xf32, #tpu.memory_space<vmem>>, %arg2: memref<10000x128xf32, #tpu.memory_space<vmem>>) attributes {dimension_semantics = [], scalar_prefetch = 0 : i64, scratch_operands = 0 : i64, tpu.core_type = #tpu.core_type<tc>} {
    %get3A = arith.constant 0 : index
    %get3A_0 = arith.constant 0 : index
    %get3A_1 = vector.load %arg0[%get3A, %get3A_0] : memref<10000x128xf32, #tpu.memory_space<vmem>>, vector<10000x128xf32>
    %get3A_2 = arith.constant 0 : index
    %get3A_3 = arith.constant 0 : index
    %get3A_4 = vector.load %arg1[%get3A_2, %get3A_3] : memref<128x128xf32, #tpu.memory_space<vmem>>, vector<128x128xf32>
    %dot_general3A = arith.constant dense<0.000000e+00> : vector<10000x128xf32>
    %dot_general3A_5 = tpu.matmul %get3A_1, %get3A_4, %dot_general3A {dimension_numbers = #tpu.dot_dimension_numbers<[1], [0], [0], [1], [0, 0, 1, 1], [], []>, transpose_lhs_hint = false} : vector<10000x128xf32>, vector<128x128xf32>, vector<10000x128xf32> -> vector<10000x128xf32>
    %swap3A = arith.constant 0 : index
    %swap3A_6 = arith.constant 0 : index
    %swap3A_7 = vector.load %arg2[%swap3A, %swap3A_6] : memref<10000x128xf32, #tpu.memory_space<vmem>>, vector<10000x128xf32>
    tpu.vector_store %arg2[%swap3A, %swap3A_6], %dot_general3A_5 {strides = array<i32>} : memref<10000x128xf32, #tpu.memory_space<vmem>>, vector<10000x128xf32>,
    return
  }
}

module attributes {stable_mosaic.version = 14 : i64} {
  func.func @_scale_body(%arg0: memref<10000x128xf32, #tpu.memory_space<vmem>>, %arg1: memref<10000x128xf32, #tpu.memory_space<vmem>>, %arg2: memref<10000x128xf32, #tpu.memory_space<vmem>>, %arg3: memref<10000x128xf32, #tpu.memory_space<vmem>>, %arg4: memref<10000x128xf32, #tpu.memory_space<vmem>>) attributes {dimension_semantics = [], scalar_prefetch = 0 : i64, scratch_operands = 0 : i64, tpu.core_type = #tpu.core_type<tc>} {
    %get3A = arith.constant 0 : index
    %get3A_0 = arith.constant 0 : index
    %get3A_1 = vector.load %arg0[%get3A, %get3A_0] : memref<10000x128xf32, #tpu.memory_space<vmem>>, vector<10000x128xf32>
    %slice3A = vector.extract_strided_slice %get3A_1 {offsets = [0, 0], sizes = [10000, 1], strides = [1, 1]} : vector<10000x128xf32> to vector<10000x1xf32>
    %get3A_2 = arith.constant 0 : index
    %get3A_3 = arith.constant 0 : index
    %get3A_4 = vector.load %arg1[%get3A_2, %get3A_3] : memref<10000x128xf32, #tpu.memory_space<vmem>>, vector<10000x128xf32>
    %slice3A_5 = vector.extract_strided_slice %get3A_4 {offsets = [0, 0], sizes = [10000, 1], strides = [1, 1]} : vector<10000x128xf32> to vector<10000x1xf32>
    %add3A = arith.addf %slice3A, %slice3A_5 : vector<10000x1xf32>
    %add3A_6 = arith.constant 1.000000e+00 : f32
    %add3A_7 = vector.broadcast %add3A_6 : f32 to vector<10000x1xf32>
    %add3A_8 = arith.addf %add3A, %add3A_7 : vector<10000x1xf32>
    %rsqrt3A = math.rsqrt %add3A_8 : vector<10000x1xf32>
    %get3A_9 = arith.constant 0 : index
    %get3A_10 = arith.constant 0 : index
    %get3A_11 = vector.load %arg2[%get3A_9, %get3A_10] : memref<10000x128xf32, #tpu.memory_space<vmem>>, vector<10000x128xf32>
    %mul3A = vector.broadcast %rsqrt3A : vector<10000x1xf32> to vector<10000x128xf32>
    %mul3A_12 = arith.mulf %get3A_11, %mul3A : vector<10000x128xf32>
    %swap3A = arith.constant 0 : index
    %swap3A_13 = arith.constant 0 : index
    %swap3A_14 = vector.load %arg3[%swap3A, %swap3A_13] : memref<10000x128xf32, #tpu.memory_space<vmem>>, vector<10000x128xf32>
    tpu.vector_store %arg3[%swap3A, %swap3A_13], %mul3A_12 {strides = array<i32>} : memref<10000x128xf32, #tpu.memory_space<vmem>>, vector<10000x128xf32>,
    %broadcast_in_dim3A = vector.shape_cast %rsqrt3A : vector<10000x1xf32> to vector<10000x1xf32>
    %broadcast_in_dim3A_15 = vector.broadcast %broadcast_in_dim3A : vector<10000x1xf32> to vector<10000x128xf32>
    %swap3A_16 = arith.constant 0 : index
    %swap3A_17 = arith.constant 0 : index
    %swap3A_18 = vector.load %arg4[%swap3A_16, %swap3A_17] : memref<10000x128xf32, #tpu.memory_space<vmem>>, vector<10000x128xf32>
    tpu.vector_store %arg4[%swap3A_16, %swap3A_17], %broadcast_in_dim3A_15 {strides = array<i32>} : memref<10000x128xf32, #tpu.memory_space<vmem>>, vector<10000x128xf32>,
    return
  }
}

module attributes {stable_mosaic.version = 14 : i64} {
  func.func @_combine_mm_body(%arg0: memref<10000x128xf32, #tpu.memory_space<vmem>>, %arg1: memref<10000x128xf32, #tpu.memory_space<vmem>>, %arg2: memref<10000x128xf32, #tpu.memory_space<vmem>>, %arg3: memref<10000x128xf32, #tpu.memory_space<vmem>>, %arg4: memref<128x128xf32, #tpu.memory_space<vmem>>, %arg5: memref<1x128xf32, #tpu.memory_space<vmem>>, %arg6: memref<10000x128xf32, #tpu.memory_space<vmem>>) attributes {dimension_semantics = [], scalar_prefetch = 0 : i64, scratch_operands = 0 : i64, tpu.core_type = #tpu.core_type<tc>} {
    %get3A = arith.constant 0 : index
    %get3A_0 = arith.constant 0 : index
    %get3A_1 = vector.load %arg0[%get3A, %get3A_0] : memref<10000x128xf32, #tpu.memory_space<vmem>>, vector<10000x128xf32>
    %get3A_2 = arith.constant 0 : index
    %get3A_3 = arith.constant 0 : index
    %get3A_4 = vector.load %arg1[%get3A_2, %get3A_3] : memref<10000x128xf32, #tpu.memory_space<vmem>>, vector<10000x128xf32>
    %add3A = arith.addf %get3A_1, %get3A_4 : vector<10000x128xf32>
    %get3A_5 = arith.constant 0 : index
    %get3A_6 = arith.constant 0 : index
    %get3A_7 = vector.load %arg2[%get3A_5, %get3A_6] : memref<10000x128xf32, #tpu.memory_space<vmem>>, vector<10000x128xf32>
    %add3A_8 = arith.addf %add3A, %get3A_7 : vector<10000x128xf32>
    %get3A_9 = arith.constant 0 : index
    %get3A_10 = arith.constant 0 : index
    %get3A_11 = vector.load %arg3[%get3A_9, %get3A_10] : memref<10000x128xf32, #tpu.memory_space<vmem>>, vector<10000x128xf32>
    %mul3A = arith.mulf %get3A_11, %add3A_8 : vector<10000x128xf32>
    %get3A_12 = arith.constant 0 : index
    %get3A_13 = arith.constant 0 : index
    %get3A_14 = vector.load %arg5[%get3A_12, %get3A_13] : memref<1x128xf32, #tpu.memory_space<vmem>>, vector<1x128xf32>
    %add3A_15 = vector.broadcast %get3A_14 : vector<1x128xf32> to vector<10000x128xf32>
    %add3A_16 = arith.addf %mul3A, %add3A_15 : vector<10000x128xf32>
    %get3A_17 = arith.constant 0 : index
    %get3A_18 = arith.constant 0 : index
    %get3A_19 = vector.load %arg3[%get3A_17, %get3A_18] : memref<10000x128xf32, #tpu.memory_space<vmem>>, vector<10000x128xf32>
    %get3A_20 = arith.constant 0 : index
    %get3A_21 = arith.constant 0 : index
    %get3A_22 = vector.load %arg4[%get3A_20, %get3A_21] : memref<128x128xf32, #tpu.memory_space<vmem>>, vector<128x128xf32>
    %dot_general3A = arith.constant dense<0.000000e+00> : vector<10000x128xf32>
    %dot_general3A_23 = tpu.matmul %add3A_16, %get3A_22, %dot_general3A {dimension_numbers = #tpu.dot_dimension_numbers<[1], [0], [0], [1], [0, 0, 1, 1], [], []>, transpose_lhs_hint = false} : vector<10000x128xf32>, vector<128x128xf32>, vector<10000x128xf32> -> vector<10000x128xf32>
    %mul3A_24 = arith.mulf %get3A_19, %dot_general3A_23 : vector<10000x128xf32>
    %swap3A = arith.constant 0 : index
    %swap3A_25 = arith.constant 0 : index
    %swap3A_26 = vector.load %arg6[%swap3A, %swap3A_25] : memref<10000x128xf32, #tpu.memory_space<vmem>>, vector<10000x128xf32>
    tpu.vector_store %arg6[%swap3A, %swap3A_25], %mul3A_24 {strides = array<i32>} : memref<10000x128xf32, #tpu.memory_space<vmem>>, vector<10000x128xf32>,
    return
  }
}

module attributes {stable_mosaic.version = 14 : i64} {
  func.func @_final_body(%arg0: memref<10000x128xf32, #tpu.memory_space<vmem>>, %arg1: memref<10000x128xf32, #tpu.memory_space<vmem>>, %arg2: memref<10000x128xf32, #tpu.memory_space<vmem>>, %arg3: memref<10000x128xf32, #tpu.memory_space<vmem>>, %arg4: memref<1x128xf32, #tpu.memory_space<vmem>>, %arg5: memref<1x10000xi32, #tpu.memory_space<vmem>>, %arg6: memref<16x128xf32, #tpu.memory_space<vmem>>) attributes {dimension_semantics = [], scalar_prefetch = 0 : i64, scratch_operands = 0 : i64, tpu.core_type = #tpu.core_type<tc>} {
    %get3A = arith.constant 0 : index
    %get3A_0 = arith.constant 0 : index
    %get3A_1 = vector.load %arg0[%get3A, %get3A_0] : memref<10000x128xf32, #tpu.memory_space<vmem>>, vector<10000x128xf32>
    %get3A_2 = arith.constant 0 : index
    %get3A_3 = arith.constant 0 : index
    %get3A_4 = vector.load %arg1[%get3A_2, %get3A_3] : memref<10000x128xf32, #tpu.memory_space<vmem>>, vector<10000x128xf32>
    %add3A = arith.addf %get3A_1, %get3A_4 : vector<10000x128xf32>
    %get3A_5 = arith.constant 0 : index
    %get3A_6 = arith.constant 0 : index
    %get3A_7 = vector.load %arg2[%get3A_5, %get3A_6] : memref<10000x128xf32, #tpu.memory_space<vmem>>, vector<10000x128xf32>
    %add3A_8 = arith.addf %add3A, %get3A_7 : vector<10000x128xf32>
    %get3A_9 = arith.constant 0 : index
    %get3A_10 = arith.constant 0 : index
    %get3A_11 = vector.load %arg3[%get3A_9, %get3A_10] : memref<10000x128xf32, #tpu.memory_space<vmem>>, vector<10000x128xf32>
    %mul3A = arith.mulf %get3A_11, %add3A_8 : vector<10000x128xf32>
    %get3A_12 = arith.constant 0 : index
    %get3A_13 = arith.constant 0 : index
    %get3A_14 = vector.load %arg4[%get3A_12, %get3A_13] : memref<1x128xf32, #tpu.memory_space<vmem>>, vector<1x128xf32>
    %add3A_15 = vector.broadcast %get3A_14 : vector<1x128xf32> to vector<10000x128xf32>
    %add3A_16 = arith.addf %mul3A, %add3A_15 : vector<10000x128xf32>
    %get3A_17 = arith.constant 0 : index
    %get3A_18 = arith.constant 0 : index
    %get3A_19 = vector.load %arg5[%get3A_17, %get3A_18] : memref<1x10000xi32, #tpu.memory_space<vmem>>, vector<1x10000xi32>
    %iota3A = tpu.iota {dimensions = array<i32: 0>} : vector<16x10000xi32>
    %eq3A = vector.broadcast %get3A_19 : vector<1x10000xi32> to vector<16x10000xi32>
    %eq3A_20 = arith.cmpi eq, %iota3A, %eq3A : vector<16x10000xi32>
    %convert_element_type3A = arith.extui %eq3A_20 : vector<16x10000xi1> to vector<16x10000xi32>
    %convert_element_type3A_21 = arith.sitofp %convert_element_type3A : vector<16x10000xi32> to vector<16x10000xf32>
    %dot_general3A = arith.constant dense<0.000000e+00> : vector<16x128xf32>
    %dot_general3A_22 = tpu.matmul %convert_element_type3A_21, %add3A_16, %dot_general3A {dimension_numbers = #tpu.dot_dimension_numbers<[1], [0], [0], [1], [0, 0, 1, 1], [], []>, transpose_lhs_hint = false} : vector<16x10000xf32>, vector<10000x128xf32>, vector<16x128xf32> -> vector<16x128xf32>
    %reduce_sum3A = arith.constant dense<0.000000e+00> : vector<16xf32>
    %reduce_sum3A_23 = vector.multi_reduction <add>, %convert_element_type3A_21, %reduce_sum3A [1] : vector<16x10000xf32> to vector<16xf32>
    %broadcast_in_dim3A = vector.shape_cast %reduce_sum3A_23 : vector<16xf32> to vector<16x1xf32>
    %max3A = arith.constant 1.000000e+00 : f32
    %max3A_24 = vector.broadcast %max3A : f32 to vector<16x1xf32>
    %max3A_25 = arith.maximumf %broadcast_in_dim3A, %max3A_24 : vector<16x1xf32>
    %div3A = vector.broadcast %max3A_25 : vector<16x1xf32> to vector<16x128xf32>
    %div3A_26 = arith.divf %dot_general3A_22, %div3A : vector<16x128xf32>
    %swap3A = arith.constant 0 : index
    %swap3A_27 = arith.constant 0 : index
    %swap3A_28 = vector.load %arg6[%swap3A, %swap3A_27] : memref<16x128xf32, #tpu.memory_space<vmem>>, vector<16x128xf32>
    tpu.vector_store %arg6[%swap3A, %swap3A_27], %div3A_26 {strides = array<i32>} : memref<16x128xf32, #tpu.memory_space<vmem>>, vector<16x128xf32>,
    return
  }
}

</mosaic_0001>

<sc_bundles>
// kernel: kernel.12.cloned.1.call-start
scs
__scs_entry_jumppad:
0x0: {  	(pc) =	sbr.rel $0x88, $3  }
0x1: {  	(tag) =	ssettag $0x0;
	lr =	simm.s32 $0x1  }
0x2: {  	[smem:$0x3F9A] =	sst lr;
	_ =	strace $0xD0000000  }
0x3: {  	_ = 	snop  }
0x4: {  	_ = 	snop  }
0x5: {  	_ = 	snop  }
0x6: {  	_ = 	snop  }
0x7: {  	_ = 	snop  }
__scs_overlays_trampoline_lowered:
0x8: {  	[smem:$0x3FA9] =	sst s0  }
0x9: {  	[smem:$0x3FAA] =	sst s1  }
0xa: {  	[smem:$0x3FAB] =	sst s2  }
0xb: {  	[smem:$0x3FAC] =	sst s3  }
0xc: {  	[smem:$0x3FAD] =	sst s4  }
0xd: {  	[smem:$0x3FAE] =	sst s5  }
0xe: {  	[smem:$0x3FAF] =	sst s6  }
0xf: {  	[smem:$0x3FB0] =	sst s7  }
0x10: {  	[smem:$0x3FB1] =	sst s8  }
0x11: {  	[smem:$0x3FB2] =	sst s9;
	s0 =	simm.s32 @!p0 $0x0  }
0x12: {  	s1 =	sld [smem:$0x3F98];
	s0 =	simm.s32 @p0 $0x1  }
0x13: {  	[smem:$0x3FB3] =	sst s0;
	s0 =	simm.s32 @!p1 $0x0  }
0x14: {  	s2 =	sld [smem:$0x3F97];
	s0 =	simm.s32 @p1 $0x1  }
0x15: {  	[smem:$0x3FB4] =	sst s0;
	s0 =	simm.s32 @!p2 $0x0  }
0x16: {  	s3 =	sld [smem:$0x3FDB];
	s0 =	simm.s32 @p2 $0x1  }
0x17: {  	s4 =	simm.s32 $0x1BF5;
	[smem:$0x3FB6] =	sst s0  }
0x18: {  	s0 =	sld [smem:$0x3F99];
	_ =	swait.ge [sflag:s4], $0x0  }
0x19: {  	s7 =	sld [smem:$0x3F9A]  }
0x1a: {  	s8 =	sadd.s32 $0xFFFFE003, lr  }
0x1b: {  	s9 =	sadd.s32 $0xFFFFFEF7, lr;
	s5 =	simm.s32 $0xFFFFFFFF;
	p2 =	slt.u32 s8, $0xFFFFF086  }
0x1c: {  	p1 =	slt.u32 s9, $0xF7A;
	s5 =	simm.s32 @!p2 $0x0  }
0x1d: {  	s5 =	simm.s32 @p1 $0x1;
	p0 =	seq.s32 s7, s2  }
0x1e: {  	s7 =	smul.u32 @!p0 $0xF7A, s2;
	p2 =	seq.s32 @!p0 s5, $0x0  }
0x1f: {  	s9 =	smul.u32 $0xF7A, s1;
	s8 =	simm.s32 @!p0 $0x1BF5;
	p2 =	por !p2, p0  }
0x20: {  	[sflag:s8] =	ssyncset.s32 @!p0 $0xFFFFF086;
	s6 =	sadd.s32 @!p0 s3, s7;
	s7 =	simm.s32 @!p0 $0x108  }
0x21: {  	s3 =	sadd.s32 s3, s9;
	s6 =	sadd.s32 @!p0 $0x88, s6;
	s7 =	simm.s32 @p2 $0x1082  }
0x22: {  	[simem:s7], [sflag:s8] =	dma.local @!p0 [hbm:s6], $0xF7A  }
0x23: {  	s9 =	sor.u32 $0xD0000000, s2;
	s6 =	simm.s32 $0x108;
	_ =	swait.ge @!p0 [sflag:s8], $0x0  }
0x24: {  	s3 =	sadd.s32 $0x88, s3;
	s6 =	simm.s32 @!p1 $0x1082;
	[sflag:s4] =	ssyncset.s32 $0xFFFFF086  }
0x25: {  	[simem:s6], [sflag:s4] =	dma.local [hbm:s3], $0xF7A  }
0x26: {  	[smem:$0x3F9A] =	sst s1;
	(tag) =	ssettag s2;
	_ =	strace s9  }
0x27: {  	s1 =	sld [smem:$0x3FAA]  }
0x28: {  	s2 =	sld [smem:$0x3FAB]  }
0x29: {  	s4 =	sld [smem:$0x3FAD]  }
0x2a: {  	p0 =	seq.s32 s5, $0x0;
	s5 =	sld [smem:$0x3FAE]  }
0x2b: {  	s6 =	sld [smem:$0x3FAF]  }
0x2c: {  	s7 =	sld [smem:$0x3FB0]  }
0x2d: {  	s3 =	simm.s32 $0x108;
	s8 =	sld [smem:$0x3FB1]  }
0x2e: {  	s3 =	simm.s32 @!p0 $0x1082;
	s9 =	sld [smem:$0x3FB2]  }
0x2f: {  	lr =	sadd.s32 s0, s3;
	s0 =	sld [smem:$0x3FA9]  }
0x30: {  	s3 =	sld [smem:$0x3FAC]  }
0x31: {  	[smem:$0x3FB5] =	sst s10  }
0x32: {  	s10 =	sld [smem:$0x3FB3];
	_ =	sdelay $0x3  }
0x33: {  	p0 =	seq.s32 s10, $0x1;
	s10 =	sld [smem:$0x3FB5];
	_ =	sdelay $0x3  }
0x34: {  	[smem:$0x3FB5] =	sst s10  }
0x35: {  	s10 =	sld [smem:$0x3FB4];
	_ =	sdelay $0x3  }
0x36: {  	p1 =	seq.s32 s10, $0x1;
	s10 =	sld [smem:$0x3FB5];
	_ =	sdelay $0x3  }
0x37: {  	[smem:$0x3FB5] =	sst s10  }
0x38: {  	s10 =	sld [smem:$0x3FB6]  }
0x39: {  	_ = 	snop;
	(pc) =	sbr.ind lr, $3  }
0x3a: {  	_ = 	snop  }
0x3b: {  	_ = 	snop  }
0x3c: {  	p2 =	seq.s32 s10, $0x1;
	s10 =	sld [smem:$0x3FB5]  }
0x3d: {  	_ =	shalt  }
0x3e: {  	_ =	shalt  }
0x3f: {  	_ =	shalt  }
0x40: {  	_ =	shalt  }
0x41: {  	_ =	shalt  }
0x42: {  	_ =	shalt  }
0x43: {  	_ =	shalt  }
0x44: {  	_ =	shalt  }
0x45: {  	_ =	shalt  }
0x46: {  	_ =	shalt  }
0x47: {  	_ =	shalt  }
0x48: {  	_ =	shalt  }
0x49: {  	_ =	shalt  }
0x4a: {  	_ =	shalt  }
0x4b: {  	_ =	shalt  }
0x4c: {  	_ =	shalt  }
0x4d: {  	_ =	shalt  }
0x4e: {  	_ =	shalt  }
0x4f: {  	_ =	shalt  }
0x50: {  	_ =	shalt  }
0x51: {  	_ =	shalt  }
0x52: {  	_ =	shalt  }
0x53: {  	_ =	shalt  }
0x54: {  	_ =	shalt  }
0x55: {  	_ =	shalt  }
0x56: {  	_ =	shalt  }
0x57: {  	_ =	shalt  }
0x58: {  	_ =	shalt  }
0x59: {  	_ =	shalt  }
0x5a: {  	_ =	shalt  }
0x5b: {  	_ =	shalt  }
0x5c: {  	_ =	shalt  }
0x5d: {  	_ =	shalt  }
0x5e: {  	_ =	shalt  }
0x5f: {  	_ =	shalt  }
0x60: {  	_ =	shalt  }
0x61: {  	_ =	shalt  }
0x62: {  	_ =	shalt  }
0x63: {  	_ =	shalt  }
0x64: {  	_ =	shalt  }
0x65: {  	_ =	shalt  }
0x66: {  	_ =	shalt  }
0x67: {  	_ =	shalt  }
0x68: {  	_ =	shalt  }
0x69: {  	_ =	shalt  }
0x6a: {  	_ =	shalt  }
0x6b: {  	_ =	shalt  }
0x6c: {  	_ =	shalt  }
0x6d: {  	_ =	shalt  }
0x6e: {  	_ =	shalt  }
0x6f: {  	_ =	shalt  }
0x70: {  	_ =	shalt  }
0x71: {  	_ =	shalt  }
0x72: {  	_ =	shalt  }
0x73: {  	_ =	shalt  }
0x74: {  	_ =	shalt  }
0x75: {  	_ =	shalt  }
0x76: {  	_ =	shalt  }
0x77: {  	_ =	shalt  }
0x78: {  	_ =	shalt  }
0x79: {  	_ =	shalt  }
0x7a: {  	_ =	shalt  }
0x7b: {  	_ =	shalt  }
0x7c: {  	_ =	shalt  }
0x7d: {  	_ =	shalt  }
0x7e: {  	_ =	shalt  }
0x7f: {  	_ =	shalt  }
0x80: {  	_ =	shalt  }
0x81: {  	_ =	shalt  }
0x82: {  	_ =	shalt  }
0x83: {  	_ =	shalt  }
0x84: {  	_ =	shalt  }
0x85: {  	_ =	shalt  }
0x86: {  	_ =	shalt  }
0x87: {  	_ =	shalt  }
.Lfunc_end0:
.L_simem_size_0:
called_computation.1_lowered:
.L_overlay_start_0:
0x88: {  	s2 =	sld [smem:$0x3FD9]  }
0x89: {  	s3 =	sld [smem:$0x3FFE];
	_ =	sdelay $0x1  }
0x8a: {  	s1 =	srdreg.scid  }
0x8b: {  	s0 =	sand.u32 $0x1, s1  }
0x8c: {  	s16 =	sshll.u32 s0, $0xA;
	s2 =	sadd.s32 s3, s2  }
0x8d: {  	s2 =	sadd.s32 s2, s16  }
0x8e: {  	[smem:$0x3FC1] =	sst s2  }
0x8f: {  	_ = 	snop  }
0x90: {  	(tm) =	ssettm $0x1  }
0x91: {  	s17 =	sld [smem:$0x3FFB];
	_ =	sdelay $0x3  }
0x92: {  	_ =	strace s17  }
0x93: {  	s2 =	sld [smem:$0x3FFC];
	_ =	sdelay $0x3  }
0x94: {  	_ =	strace s2  }
0x95: {  	s2 =	sld [smem:$0x3FFD];
	_ =	sdelay $0x3  }
0x96: {  	_ =	strace s2  }
0x97: {  	_ =	strace $0x8FFFFFFF  }
0x98: {  	s18 =	sld [smem:$0x3FDB];
	_ =	sdelay $0x1  }
0x99: {  	s19 =	simm.s32 $_scs_section_size  }
0x9a: {  	s4 =	simm.s32 $_size__tile_overlayer_lowered;
	s5 =	simm.s32 $_tile_overlayer_lowered  }
0x9b: {  	s22 =	simm.s32 $0x1BFF;
	s21 =	sshll.u32 s5, $0x1;
	s2 =	sadd.s32 s19, s18  }
0x9c: {  	s6 =	simm.s32 $0x0;
	s20 =	sshll.u32 s4, $0x1;
	s4 =	sadd.s32 s21, s2  }
0x9d: {  	[timem:s6], [sflag:s22] =	dma.local [hbm:s4], s20  }
0x9e: {  	_ =	swait.ge [sflag:s22], s20  }
0x9f: {  	s3 =	ssub.s32 $0x0, s20;
	[sflag:s22] =	ssyncset.done $0x0  }
0xa0: {  	[sflag:s22] =	ssyncadd.s32 s3;
	_ =	sdelay $0x1  }
0xa1: {  	s23 =	simm.s32 $0x1B8B  }
0xa2: {  	_ =	swait.ge [sflag:s23], $0x1  }
0xa3: {  	[sflag:s23] =	ssyncset.done $0x0  }
0xa4: {  	s25 =	simm.s32 $0x1B8E;
	s24 =	sld [smem:$0x3FFE];
	[sflag:s23] =	ssyncadd.s32 $0xFFFFFFFF  }
0xa5: {  	s26 =	simm.s32 $execute0_lowered;
	[smem:$0x3FD2] =	sst s25  }
0xa6: {  	s4 =	sshll.u32 s26, $0x1;
	_ =	strace $0x80000049;
	[dreg:$0x1] =	wrdreg $0xFFFFFFFF  }
0xa7: {  	s28 =	simm.s32 $_size_execute0_lowered;
	s2 =	sadd.s32 s2, s4;
	[dreg:$0x0] =	wrdreg $0x0  }
0xa8: {  	s4 =	sshll.u32 s28, $0x1;
	[dreg:$0x2] =	wrdreg s2  }
0xa9: {  	[dreg:$0x3] =	wrdreg s4  }
0xaa: {  	[dreg:$0x4] =	wrdreg $0xC0  }
0xab: {  	_ =	task [dreg:s6], $0x5FFFF  }
0xac: {  	[dreg:$0x1] =	wrdreg $0xFFFFFFFF  }
0xad: {  	[dreg:$0x0] =	wrdreg $0x60  }
0xae: {  	[dreg:$0x2] =	wrdreg s24  }
0xaf: {  	[dreg:$0x3] =	wrdreg $0x82000  }
0xb0: {  	[dreg:$0x4] =	wrdreg $0x9  }
0xb1: {  	_ =	task.clear_ibuf [dreg:s6], $0x5FFFF;
	_ =	strace $0x90000049  }
0xb2: {  	s29 =	simm.s32 $0x9;
	_ =	strace $0x8000004B  }
0xb3: {  	_ =	swait.ge [sflag:s29], $0x1  }
0xb4: {  	[sflag:s29] =	ssyncadd.s32 $0xFFFFFFFF  }
0xb5: {  	_ =	strace $0x9000004B  }
0xb6: {  	_ =	sfence  }
0xb7: {  	s30 =	sld [smem:$0x0];
	_ =	sdelay $0x2  }
0xb8: {  	s31 =	sshll.u32 s1, $0xD;
	s1 =	sshrl.u32 s1, $0x2  }
0xb9: {  	s3 =	sand.u32 $0x4000, s31;
	s1 =	sadd.s32 s1, s30  }
0xba: {  	s0 =	sor.u32 s3, s0;
	s1 =	sshll.u32 s1, $0x11  }
0xbb: {  	s0 =	sor.u32 s1, s0  }
0xbc: {  	s0 =	sadd.s32 $0x8F2B, s0  }
0xbd: {  	[sflag:s0] =	ssyncadd.remote.s32 $0x1  }
0xbe: {  	_ =	sfence.sel $0xFFFF  }
0xbf: {  	[dreg:$0x0] =	wrdreg $0xFFFFFFFF;
	(pc) =	sbr.abs _section_cstart, $3  }
0xc0: {  	[dreg:$0x1] =	wrdreg $0xFFFFFFFF  }
0xc1: {  	_ =	task.clear_ibuf [dreg:s6], $0x2FFFF;
	_ =	strace $0x9FFFFFFF  }
0xc2: {  	(tm) =	ssettm $0x7FFFFFFF  }
0xc3: {  	_ =	shalt  }
tec
execute0_lowered:
.L_overlay_start_1:
0x0: {  	(tag) =	ssettag $0x1  }
0x1: {  	s9 =	stileid.u32  }
0x2: {  	s0 =	rddreg [dreg:$0x0];
	s1 =	smul.u32 $0x74, s9  }
0x3: {  	s2 =	rddreg [dreg:$0x1];
	s5 =	smul.u32 $0x2C, s9  }
0x4: {  	s4 =	srdreg.scid;
	s3 =	simm.s32 $0x0;
	s7 =	smul.u32 $0x280, s9  }
0x5: {  	s28 =	simm.s32 $0x0;
	s6 =	sand.u32 $0x1, s4;
	s22 =	smul.u32 $0x50000, s9  }
0x6: {  	[smem:$0x7FF] =	sst s3;
	s4 =	sadd.s32 $0xDE00, s0;
	s8 =	smul.u32 $0x2800, s6  }
0x7: {  	_ =	strace $0x8000004A;
	p0 =	seq.s32 s6, $0x0;
	s5 =	sadd.s32 $0x740, s5  }
0x8: {  	s24 =	ssub.s32 $0x2, s6;
	s5 =	smov.u32 @p0 s1;
	s21 =	sadd.s32 s8, s7  }
0x9: {  	s6 =	sshrl.u32 s24, $0x1;
	s5 =	sshll.u32 s5, $0x4;
	s1 =	sshll.u32 s21, $0x4  }
0xa: {  	s7 =	sshrl.u32 s22, $0x2;
	s23 =	sadd.s32 s5, s0;
	s0 =	sadd.s32 s1, s0  }
0xb: {  	s5 =	simm.s32 $0x3A;
	s1 =	ssub.s32 s24, s6;
	s6 =	sadd.s32 s7, s2  }
0xc: {  	s24 =	simm.s32 $0x200;
	s5 =	simm.s32 @!p0 $0x16;
	s25 =	sadd.s32 $0x85000, s23  }
0xd: {  	s26 =	sadd.s32 $0x3E00, s23;
	s1 =	smax.u32 s1, $0x1;
	s11 =	sadd.s32 $0x4000, s6  }
0xe: {  	s12 =	sadd.s32 $0x8000, s6;
	s13 =	sadd.s32 $0xC000, s6;
	s14 =	sadd.s32 $0x10000, s6  }
0xf: {  	s29 =	sadd.s32 $0x8F000, s0;
	s30 =	sadd.s32 $0x8F800, s0;
	[dreg:$0x3] =	wrdreg s25  }
0x10: {  	s31 =	sadd.s32 $0x90000, s0;
	s18 =	sadd.s32 $0x90800, s0;
	[dreg:$0x4] =	wrdreg s26  }
0x11: {  	s19 =	sadd.s32 $0x91000, s0;
	s20 =	sadd.s32 $0x85010, s23;
	[dreg:$0x5] =	wrdreg s1  }
0x12: {  	s21 =	sadd.s32 $0x3E10, s23;
	s22 =	sadd.s32 $0x85020, s23;
	[dreg:$0x6] =	wrdreg s29  }
0x13: {  	s23 =	sadd.s32 $0x3E20, s23;
	s9 =	sadd.s32 $0xFFFFFFFF, s5;
	[dreg:$0x7] =	wrdreg s30  }
0x14: {  	v0 =	vimm.f32 $0.0e+00;
	[dreg:$0x8] =	wrdreg s31;
	s25 =	simm.s32 $0x3;
	s26 =	simm.s32 $0x80  }
.LBB2_1:
0x15: {  	s0 =	simm.s32 $0x0;
	s1 =	simm.s32 $0x200  }
.LBB2_2:
0x16: {  	p0 =	sne.s32 s1, $0xFE00;
	[tilespmem:s0+$0x270] =	vst v0  }
0x17: {  	[tilespmem:s0+$0x200] =	vst v0  }
0x18: {  	[tilespmem:s0+$0x210] =	vst v0  }
.Ltmp0:
0x19: {  	[tilespmem:s0+$0x220] =	vst v0;
	(pc) =	sbr.rel @p0 .LBB2_2-.Ltmp0, $4  }
0x1a: {  	[tilespmem:s0+$0x230] =	vst v0  }
0x1b: {  	[tilespmem:s0+$0x240] =	vst v0  }
0x1c: {  	[tilespmem:s0+$0x250] =	vst v0  }
0x1d: {  	[tilespmem:s0+$0x260] =	vst v0;
	s0 =	sshra.s32 s1, $0x2;
	s1 =	sadd.s32 $0x200, s1  }
0x1e: {  	[tilespmem:s0+$0x270] =	vst v0  }
0x1f: {  	[tilespmem:s0+$0x200] =	vst v0  }
0x20: {  	[tilespmem:s0+$0x210] =	vst v0  }
0x21: {  	[tilespmem:s0+$0x220] =	vst v0  }
0x22: {  	[tilespmem:s0+$0x230] =	vst v0  }
0x23: {  	[tilespmem:s0+$0x240] =	vst v0  }
0x24: {  	[tilespmem:s0+$0x250] =	vst v0  }
0x25: {  	[tilespmem:s0+$0x260] =	vst v0  }
0x26: {  	[spmem:s6] =	stream.linear.scatter [tilespmem:s24], [sflag:$0x3], $0x4000, $0x38;
	[tilespmem:$0x1C200] =	vst v63  }
0x27: {  	_ =	swait.ge [sflag:s25], $0x4000  }
0x28: {  	[sflag:s25] =	ssyncset.done $0x0  }
0x29: {  	[sflag:s25] =	ssyncadd.s32 $0xFFFFC000  }
0x2a: {  	[spmem:s11] =	stream.linear.scatter [tilespmem:s24], [sflag:$0x3], $0x4000, $0x38;
	[tilespmem:$0x1C200] =	vst v63  }
0x2b: {  	_ =	swait.ge [sflag:s25], $0x4000  }
0x2c: {  	[sflag:s25] =	ssyncset.done $0x0  }
0x2d: {  	[sflag:s25] =	ssyncadd.s32 $0xFFFFC000  }
0x2e: {  	[spmem:s12] =	stream.linear.scatter [tilespmem:s24], [sflag:$0x3], $0x4000, $0x38;
	[tilespmem:$0x1C200] =	vst v63  }
0x2f: {  	_ =	swait.ge [sflag:s25], $0x4000  }
0x30: {  	[sflag:s25] =	ssyncset.done $0x0  }
0x31: {  	[sflag:s25] =	ssyncadd.s32 $0xFFFFC000  }
0x32: {  	[spmem:s13] =	stream.linear.scatter [tilespmem:s24], [sflag:$0x3], $0x4000, $0x38;
	[tilespmem:$0x1C200] =	vst v63  }
0x33: {  	_ =	swait.ge [sflag:s25], $0x4000  }
0x34: {  	[sflag:s25] =	ssyncset.done $0x0  }
0x35: {  	[sflag:s25] =	ssyncadd.s32 $0xFFFFC000  }
0x36: {  	[spmem:s14] =	stream.linear.scatter [tilespmem:s24], [sflag:$0x3], $0x4000, $0x38;
	[tilespmem:$0x1C200] =	vst v63  }
0x37: {  	_ =	swait.ge [sflag:s25], $0x4000  }
0x38: {  	[sflag:s25] =	ssyncset.done $0x0  }
0x39: {  	[sflag:s25] =	ssyncadd.s32 $0xFFFFC000  }
0x3a: {  	[bflag:$0x0] =	sbarrier.arrive $0xFFFF  }
0x3b: {  	s16 =	simm.s32 $0x0;
	s1 =	rddreg [dreg:$0x3]  }
0x3c: {  	[tilespmem:s16], [sflag:$0x3] =	stream.linear.gather [hbm4b:s1+s16], $0x80, $0x38;
	[tilespmem:$0x1C200] =	vst v63  }
0x3d: {  	_ =	swait.ge [sflag:s25], $0x80  }
0x3e: {  	[sflag:s25] =	ssyncset.done $0x0  }
0x3f: {  	s17 =	rddreg [dreg:$0x4];
	[sflag:s25] =	ssyncadd.s32 $0xFFFFFF80  }
0x40: {  	[tilespmem:s26], [sflag:$0x3] =	stream.linear.gather [hbm4b:s17+s16], $0x80, $0x38;
	[tilespmem:$0x1C200] =	vst v63  }
0x41: {  	_ =	swait.ge [sflag:s25], $0x80  }
0x42: {  	p0 =	sle.u32 s5, $0x0;
	[sflag:s25] =	ssyncset.done $0x0  }
0x43: {  	s0 =	sadd.s32 @!p0 $0x0, s20;
	[sflag:s25] =	ssyncadd.s32 $0xFFFFFF80  }
0x44: {  	[tilespmem:s24], [sflag:$0x1] =	stream.indirect.gather [hbm4b:s4+s26], $0x80, s16, s26, $0xb8;
	[tilespmem:$0x1C200] =	vst v63  }
0x45: {  	s29 =	simm.s32 @!p0 $0x100;
	s30 =	simm.s32 @!p0 $0x4;
	s1 =	simm.s32 @!p0 $0x0  }
0x46: {  	[tilespmem:s29], [sflag:$0x4] =	stream.linear.gather @!p0 [hbm4b:s0+s1], $0x80, $0x38;
	[tilespmem:$0x1C200] =	vst v63  }
0x47: {  	_ =	swait.ge @!p0 [sflag:s30], $0x80  }
0x48: {  	s31 =	simm.s32 @!p0 $0x180;
	[sflag:s30] =	ssyncset.done @!p0 $0x0  }
0x49: {  	s0 =	sadd.s32 @!p0 $0x0, s21;
	[sflag:s30] =	ssyncadd.s32 @!p0 $0xFFFFFF80;
	p0 =	por p0, p0  }
0x4a: {  	[tilespmem:s31], [sflag:$0x4] =	stream.linear.gather @!p0 [hbm4b:s0+s1], $0x80, $0x38;
	[tilespmem:$0x1C200] =	vst v63  }
0x4b: {  	_ =	swait.ge @!p0 [sflag:s30], $0x80  }
0x4c: {  	s0 =	simm.s32 @!p0 $0x80;
	[sflag:s30] =	ssyncset.done @!p0 $0x0  }
0x4d: {  	s1 =	simm.s32 @!p0 $0x4200;
	s7 =	simm.s32 @!p0 $0x1;
	[sflag:s30] =	ssyncadd.s32 @!p0 $0xFFFFFF80  }
0x4e: {  	[tilespmem:s1], [sflag:$0x2] =	stream.indirect.gather @!p0 [hbm4b:s4+s0], $0x80, s29, s0, $0xb8;
	[tilespmem:$0x1C200] =	vst v63  }
0x4f: {  	_ =	swait.ge @!p0 [sflag:s7], $0x4000  }
0x50: {  	[sflag:s7] =	ssyncset.done @!p0 $0x0  }
0x51: {  	p1 =	sle.u32 @!p0 s9, $0x0;
	s29 =	simm.s32 @!p0 $0x200;
	[sflag:s7] =	ssyncadd.s32 @!p0 $0xFFFFC000  }
0x52: {  	[spmem:s2] =	stream.indirect.scatter.add.f32 @!p0 [tilespmem:s29], [sflag:$0x4], $0x80, s0, s0, $0xb8;
	[tilespmem:$0x1C200] =	vst v63  }
0x53: {  	p1 =	por p1, p0;
	_ =	swait.ge @!p0 [sflag:s30], $0x4000  }
0x54: {  	s7 =	sadd.s32 @!p1 $0x0, s22;
	[sflag:s30] =	ssyncset.done @!p0 $0x0  }
0x55: {  	s29 =	simm.s32 @!p1 $0x0;
	[sflag:s30] =	ssyncadd.s32 @!p0 $0xFFFFC000;
	s30 =	simm.s32 @!p1 $0x4  }
0x56: {  	[tilespmem:s29], [sflag:$0x4] =	stream.linear.gather @!p1 [hbm4b:s7+s29], $0x80, $0x38;
	[tilespmem:$0x1C200] =	vst v63  }
0x57: {  	_ =	swait.ge @!p1 [sflag:s30], $0x80  }
0x58: {  	[sflag:s30] =	ssyncset.done @!p1 $0x0  }
0x59: {  	s8 =	simm.s32 @!p1 $0x80;
	s7 =	sadd.s32 @!p1 $0x0, s23;
	[sflag:s30] =	ssyncadd.s32 @!p1 $0xFFFFFF80  }
0x5a: {  	[tilespmem:s8], [sflag:$0x4] =	stream.linear.gather @!p1 [hbm4b:s7+s29], $0x80, $0x38;
	[tilespmem:$0x1C200] =	vst v63  }
0x5b: {  	_ =	swait.ge @!p1 [sflag:s30], $0x80  }
0x5c: {  	[sflag:s30] =	ssyncset.done @!p1 $0x0  }
0x5d: {  	s7 =	simm.s32 @!p1 $0x200;
	[sflag:s30] =	ssyncadd.s32 @!p1 $0xFFFFFF80  }
0x5e: {  	[tilespmem:s7], [sflag:$0x1] =	stream.indirect.gather @!p1 [hbm4b:s4+s8], $0x80, s29, s8, $0xb8;
	[tilespmem:$0x1C200] =	vst v63  }
0x5f: {  	s7 =	simm.s32 @!p0 $0x2  }
0x60: {  	_ =	swait.ge @!p0 [sflag:s7], $0x4000  }
0x61: {  	[sflag:s7] =	ssyncset.done @!p0 $0x0  }
0x62: {  	[sflag:s7] =	ssyncadd.s32 @!p0 $0xFFFFC000  }
0x63: {  	[spmem:s2] =	stream.indirect.scatter.add.f32 @!p0 [tilespmem:s1], [sflag:$0x3], $0x80, s31, s0, $0xb8;
	[tilespmem:$0x1C200] =	vst v63  }
0x64: {  	p2 =	sle.u32 s5, $0x1;
	s30 =	simm.s32 $0x1;
	s1 =	simm.s32 @!p0 $0x3  }
0x65: {  	s29 =	simm.s32 $0x20;
	s31 =	simm.s32 $0x40;
	_ =	swait.ge @!p0 [sflag:s1], $0x4000  }
.LBB2_4:
0x66: {  	s0 =	sadd.s32 @!p2 s29, s20;
	s7 =	simm.s32 @!p2 $0x0;
	[sflag:s1] =	ssyncset.done @!p0 $0x0  }
0x67: {  	s8 =	simm.s32 @!p2 $0x100;
	s10 =	simm.s32 @!p2 $0x4;
	[sflag:s1] =	ssyncadd.s32 @!p0 $0xFFFFC000  }
0x68: {  	[tilespmem:s8], [sflag:$0x4] =	stream.linear.gather @!p2 [hbm4b:s0+s7], $0x80, $0x38;
	[tilespmem:$0x1C200] =	vst v63  }
0x69: {  	s1 =	smov.u32 s31;
	s31 =	sadd.s32 $0x20, s31;
	_ =	swait.ge @!p2 [sflag:s10], $0x80  }
0x6a: {  	s15 =	sadd.s32 @!p2 s29, s21;
	s0 =	simm.s32 @!p2 $0x180;
	[sflag:s10] =	ssyncset.done @!p2 $0x0  }
0x6b: {  	p0 =	por p2, p2;
	p1 =	sne.s32 s31, $0x740;
	[sflag:s10] =	ssyncadd.s32 @!p2 $0xFFFFFF80  }
0x6c: {  	[tilespmem:s0], [sflag:$0x4] =	stream.linear.gather @!p0 [hbm4b:s15+s7], $0x80, $0x38;
	[tilespmem:$0x1C200] =	vst v63  }
0x6d: {  	_ =	swait.ge @!p0 [sflag:s10], $0x80  }
0x6e: {  	s7 =	simm.s32 @!p0 $0x80;
	s15 =	simm.s32 @!p0 $0x4200;
	[sflag:s10] =	ssyncset.done @!p0 $0x0  }
0x6f: {  	s16 =	simm.s32 @!p0 $0x1;
	[sflag:s10] =	ssyncadd.s32 @!p0 $0xFFFFFF80  }
0x70: {  	[tilespmem:s15], [sflag:$0x2] =	stream.indirect.gather @!p0 [hbm4b:s4+s7], $0x80, s8, s7, $0xb8;
	[tilespmem:$0x1C200] =	vst v63  }
0x71: {  	_ =	swait.ge @!p0 [sflag:s16], $0x4000  }
0x72: {  	s8 =	simm.s32 @!p0 $0x200;
	[sflag:s16] =	ssyncset.done @!p0 $0x0  }
0x73: {  	p2 =	sge.u32 @!p0 s30, s9;
	[sflag:s16] =	ssyncadd.s32 @!p0 $0xFFFFC000  }
0x74: {  	[spmem:s2] =	stream.indirect.scatter.add.f32 @!p0 [tilespmem:s8], [sflag:$0x4], $0x80, s7, s7, $0xb8;
	[tilespmem:$0x1C200] =	vst v63  }
0x75: {  	p2 =	por p2, p0;
	_ =	swait.ge @!p0 [sflag:s10], $0x4000  }
0x76: {  	s16 =	simm.s32 @!p2 $0x0;
	s8 =	sadd.s32 @!p2 s29, s22;
	[sflag:s10] =	ssyncset.done @!p0 $0x0  }
0x77: {  	[sflag:s10] =	ssyncadd.s32 @!p0 $0xFFFFC000;
	s10 =	simm.s32 @!p2 $0x4  }
0x78: {  	[tilespmem:s16], [sflag:$0x4] =	stream.linear.gather @!p2 [hbm4b:s8+s16], $0x80, $0x38;
	[tilespmem:$0x1C200] =	vst v63  }
0x79: {  	_ =	swait.ge @!p2 [sflag:s10], $0x80  }
0x7a: {  	s17 =	simm.s32 @!p2 $0x80;
	s8 =	sadd.s32 @!p2 s29, s23;
	[sflag:s10] =	ssyncset.done @!p2 $0x0  }
0x7b: {  	s29 =	smov.u32 s1;
	[sflag:s10] =	ssyncadd.s32 @!p2 $0xFFFFFF80  }
0x7c: {  	[tilespmem:s17], [sflag:$0x4] =	stream.linear.gather @!p2 [hbm4b:s8+s16], $0x80, $0x38;
	[tilespmem:$0x1C200] =	vst v63  }
0x7d: {  	_ =	swait.ge @!p2 [sflag:s10], $0x80  }
0x7e: {  	s1 =	simm.s32 @!p2 $0x200;
	[sflag:s10] =	ssyncset.done @!p2 $0x0  }
0x7f: {  	s8 =	simm.s32 @!p0 $0x2;
	[sflag:s10] =	ssyncadd.s32 @!p2 $0xFFFFFF80  }
0x80: {  	[tilespmem:s1], [sflag:$0x1] =	stream.indirect.gather @!p2 [hbm4b:s4+s17], $0x80, s16, s17, $0xb8;
	[tilespmem:$0x1C200] =	vst v63  }
.Ltmp1:
0x81: {  	_ =	swait.ge @!p0 [sflag:s8], $0x4000;
	(pc) =	sbr.rel @p1 .LBB2_4-.Ltmp1, $4  }
0x82: {  	[sflag:s8] =	ssyncset.done @!p0 $0x0  }
0x83: {  	s30 =	sadd.s32 $0x1, s30;
	s1 =	simm.s32 @!p0 $0x3;
	[sflag:s8] =	ssyncadd.s32 @!p0 $0xFFFFC000  }
0x84: {  	[spmem:s2] =	stream.indirect.scatter.add.f32 @!p0 [tilespmem:s15], [sflag:$0x3], $0x80, s0, s7, $0xb8;
	[tilespmem:$0x1C200] =	vst v63  }
0x85: {  	p2 =	sge.u32 s30, s5;
	_ =	swait.ge @!p0 [sflag:s1], $0x4000  }
0x86: {  	s0 =	sadd.s32 @!p2 s29, s20;
	s7 =	simm.s32 @!p2 $0x0;
	[sflag:s1] =	ssyncset.done @!p0 $0x0  }
0x87: {  	s8 =	simm.s32 @!p2 $0x100;
	s10 =	simm.s32 @!p2 $0x4;
	[sflag:s1] =	ssyncadd.s32 @!p0 $0xFFFFC000  }
0x88: {  	[tilespmem:s8], [sflag:$0x4] =	stream.linear.gather @!p2 [hbm4b:s0+s7], $0x80, $0x38;
	[tilespmem:$0x1C200] =	vst v63  }
0x89: {  	_ =	swait.ge @!p2 [sflag:s10], $0x80  }
0x8a: {  	s1 =	simm.s32 @!p2 $0x180;
	[sflag:s10] =	ssyncset.done @!p2 $0x0  }
0x8b: {  	p0 =	por p2, p2;
	s0 =	sadd.s32 @!p2 s29, s21;
	[sflag:s10] =	ssyncadd.s32 @!p2 $0xFFFFFF80  }
0x8c: {  	[tilespmem:s1], [sflag:$0x4] =	stream.linear.gather @!p0 [hbm4b:s0+s7], $0x80, $0x38;
	[tilespmem:$0x1C200] =	vst v63  }
0x8d: {  	_ =	swait.ge @!p0 [sflag:s10], $0x80  }
0x8e: {  	[sflag:s10] =	ssyncset.done @!p0 $0x0  }
0x8f: {  	s0 =	simm.s32 @!p0 $0x80;
	s7 =	simm.s32 @!p0 $0x4200;
	[sflag:s10] =	ssyncadd.s32 @!p0 $0xFFFFFF80  }
0x90: {  	[tilespmem:s7], [sflag:$0x2] =	stream.indirect.gather @!p0 [hbm4b:s4+s0], $0x80, s8, s0, $0xb8;
	[tilespmem:$0x1C200] =	vst v63  }
0x91: {  	s8 =	simm.s32 @!p0 $0x1  }
0x92: {  	_ =	swait.ge @!p0 [sflag:s8], $0x4000  }
0x93: {  	[sflag:s8] =	ssyncset.done @!p0 $0x0  }
0x94: {  	p1 =	sge.u32 @!p0 s30, s9;
	[sflag:s8] =	ssyncadd.s32 @!p0 $0xFFFFC000;
	s8 =	simm.s32 @!p0 $0x200  }
0x95: {  	[spmem:s2] =	stream.indirect.scatter.add.f32 @!p0 [tilespmem:s8], [sflag:$0x4], $0x80, s0, s0, $0xb8;
	[tilespmem:$0x1C200] =	vst v63  }
0x96: {  	p1 =	por p1, p0;
	_ =	swait.ge @!p0 [sflag:s10], $0x4000  }
0x97: {  	s15 =	simm.s32 @!p1 $0x0;
	[sflag:s10] =	ssyncset.done @!p0 $0x0  }
0x98: {  	s8 =	sadd.s32 @!p1 s29, s22;
	[sflag:s10] =	ssyncadd.s32 @!p0 $0xFFFFC000;
	s10 =	simm.s32 @!p1 $0x4  }
0x99: {  	[tilespmem:s15], [sflag:$0x4] =	stream.linear.gather @!p1 [hbm4b:s8+s15], $0x80, $0x38;
	[tilespmem:$0x1C200] =	vst v63  }
0x9a: {  	_ =	swait.ge @!p1 [sflag:s10], $0x80  }
0x9b: {  	[sflag:s10] =	ssyncset.done @!p1 $0x0  }
0x9c: {  	s16 =	simm.s32 @!p1 $0x80;
	s8 =	sadd.s32 @!p1 s29, s23;
	[sflag:s10] =	ssyncadd.s32 @!p1 $0xFFFFFF80  }
0x9d: {  	[tilespmem:s16], [sflag:$0x4] =	stream.linear.gather @!p1 [hbm4b:s8+s15], $0x80, $0x38;
	[tilespmem:$0x1C200] =	vst v63  }
0x9e: {  	_ =	swait.ge @!p1 [sflag:s10], $0x80  }
0x9f: {  	[sflag:s10] =	ssyncset.done @!p1 $0x0  }
0xa0: {  	s8 =	simm.s32 @!p1 $0x200;
	[sflag:s10] =	ssyncadd.s32 @!p1 $0xFFFFFF80  }
0xa1: {  	[tilespmem:s8], [sflag:$0x1] =	stream.indirect.gather @!p1 [hbm4b:s4+s16], $0x80, s15, s16, $0xb8;
	[tilespmem:$0x1C200] =	vst v63  }
0xa2: {  	s8 =	simm.s32 @!p0 $0x2  }
0xa3: {  	_ =	swait.ge @!p0 [sflag:s8], $0x4000  }
0xa4: {  	[sflag:s8] =	ssyncset.done @!p0 $0x0  }
0xa5: {  	[sflag:s8] =	ssyncadd.s32 @!p0 $0xFFFFC000  }
0xa6: {  	[spmem:s2] =	stream.indirect.scatter.add.f32 @!p0 [tilespmem:s7], [sflag:$0x3], $0x80, s1, s0, $0xb8;
	[tilespmem:$0x1C200] =	vst v63  }
0xa7: {  	s0 =	simm.s32 @!p0 $0x3  }
0xa8: {  	_ =	swait.ge @!p0 [sflag:s0], $0x4000  }
0xa9: {  	[sflag:s0] =	ssyncset.done @!p0 $0x0  }
0xaa: {  	[sflag:s0] =	ssyncadd.s32 @!p0 $0xFFFFC000  }
0xab: {  	[bflag:$0x0] =	sbarrier.arrive $0xFFFF  }
0xac: {  	[tilespmem:s24], [sflag:$0x3] =	stream.linear.gather [spmem:s6], $0x4000, $0x38;
	[tilespmem:$0x1C200] =	vst v63  }
0xad: {  	_ =	swait.ge [sflag:s25], $0x4000  }
0xae: {  	[sflag:s25] =	ssyncset.done $0x0  }
0xaf: {  	s17 =	rddreg [dreg:$0x6];
	[sflag:s25] =	ssyncadd.s32 $0xFFFFC000  }
0xb0: {  	[hbm4b:s17+s3] =	stream.linear.scatter [tilespmem:s24], [sflag:$0x3], $0x4000, $0x38;
	[tilespmem:$0x1C200] =	vst v63  }
0xb1: {  	_ =	swait.ge [sflag:s25], $0x4000  }
0xb2: {  	[sflag:s25] =	ssyncset.done $0x0  }
0xb3: {  	[sflag:s25] =	ssyncadd.s32 $0xFFFFC000  }
0xb4: {  	[tilespmem:s24], [sflag:$0x3] =	stream.linear.gather [spmem:s11], $0x4000, $0x38;
	[tilespmem:$0x1C200] =	vst v63  }
0xb5: {  	_ =	swait.ge [sflag:s25], $0x4000  }
0xb6: {  	[sflag:s25] =	ssyncset.done $0x0  }
0xb7: {  	s29 =	rddreg [dreg:$0x7];
	[sflag:s25] =	ssyncadd.s32 $0xFFFFC000  }
0xb8: {  	[hbm4b:s29+s3] =	stream.linear.scatter [tilespmem:s24], [sflag:$0x3], $0x4000, $0x38;
	[tilespmem:$0x1C200] =	vst v63  }
0xb9: {  	_ =	swait.ge [sflag:s25], $0x4000  }
0xba: {  	[sflag:s25] =	ssyncset.done $0x0  }
0xbb: {  	[sflag:s25] =	ssyncadd.s32 $0xFFFFC000  }
0xbc: {  	[tilespmem:s24], [sflag:$0x3] =	stream.linear.gather [spmem:s12], $0x4000, $0x38;
	[tilespmem:$0x1C200] =	vst v63  }
0xbd: {  	_ =	swait.ge [sflag:s25], $0x4000  }
0xbe: {  	[sflag:s25] =	ssyncset.done $0x0  }
0xbf: {  	s30 =	rddreg [dreg:$0x8];
	[sflag:s25] =	ssyncadd.s32 $0xFFFFC000  }
0xc0: {  	[hbm4b:s30+s3] =	stream.linear.scatter [tilespmem:s24], [sflag:$0x3], $0x4000, $0x38;
	[tilespmem:$0x1C200] =	vst v63  }
0xc1: {  	_ =	swait.ge [sflag:s25], $0x4000  }
0xc2: {  	[sflag:s25] =	ssyncset.done $0x0  }
0xc3: {  	[sflag:s25] =	ssyncadd.s32 $0xFFFFC000  }
0xc4: {  	[tilespmem:s24], [sflag:$0x3] =	stream.linear.gather [spmem:s13], $0x4000, $0x38;
	[tilespmem:$0x1C200] =	vst v63  }
0xc5: {  	_ =	swait.ge [sflag:s25], $0x4000  }
0xc6: {  	[sflag:s25] =	ssyncset.done $0x0  }
0xc7: {  	[sflag:s25] =	ssyncadd.s32 $0xFFFFC000  }
0xc8: {  	[hbm4b:s18+s3] =	stream.linear.scatter [tilespmem:s24], [sflag:$0x3], $0x4000, $0x38;
	[tilespmem:$0x1C200] =	vst v63  }
0xc9: {  	_ =	swait.ge [sflag:s25], $0x4000  }
0xca: {  	[sflag:s25] =	ssyncset.done $0x0  }
0xcb: {  	[sflag:s25] =	ssyncadd.s32 $0xFFFFC000  }
0xcc: {  	[tilespmem:s24], [sflag:$0x3] =	stream.linear.gather [spmem:s14], $0x4000, $0x38;
	[tilespmem:$0x1C200] =	vst v63  }
0xcd: {  	_ =	swait.ge [sflag:s25], $0x4000  }
0xce: {  	[sflag:s25] =	ssyncset.done $0x0  }
0xcf: {  	[sflag:s25] =	ssyncadd.s32 $0xFFFFC000  }
0xd0: {  	[hbm4b:s19+s3] =	stream.linear.scatter [tilespmem:s24], [sflag:$0x3], $0x4000, $0x38;
	[tilespmem:$0x1C200] =	vst v63  }
0xd1: {  	_ =	swait.ge [sflag:s25], $0x4000  }
0xd2: {  	s28 =	sadd.s32 $0x1, s28;
	s31 =	rddreg [dreg:$0x5]  }
0xd3: {  	p0 =	sne.s32 s28, s31  }
.Ltmp2:
0xd4: {  	_ = 	snop;
	(pc) =	sbr.rel @p0 .LBB2_1-.Ltmp2, $3  }
0xd5: {  	_ =	sdelay $0x1  }
0xd6: {  	[sflag:s25] =	ssyncset.done $0x0  }
0xd7: {  	[sflag:s25] =	ssyncadd.s32 $0xFFFFC000  }
0xd8: {  	_ =	sfence.sel $0x180000  }
0xd9: {  	[bflag:$0x0] =	sbarrier.arrive $0xFFFF  }
0xda: {  	_ =	strace $0x9000004A  }
0xdb: {  	s0 =	stileid.u32;
	[bflag:$0x2] =	sbarrier.arrive $0xFFFF  }
0xdc: {  	p0 =	sne.s32 s0, $0x0;
	s0 =	rddreg [dreg:$0x2]  }
0xdd: {  	s0 =	sadd.s32 @!p0 $0x100000, s0  }
0xde: {  	[sflag:s0] =	ssyncadd.tile.s32 @!p0 $0x1;
	_ =	shalt  }
.Lfunc_end2:
_tile_overlayer_lowered:
.L_overlay_start_2:
0xdf: {  	(tag) =	ssettag $0x2  }
0xe0: {  	s0 =	rddreg [dreg:$0x0];
	s2 =	stileid.u32  }
0xe1: {  	s1 =	rddreg [dreg:$0x1];
	p0 =	sne.s32 s2, $0x0  }
0xe2: {  	s3 =	rddreg [dreg:$0x2];
	[bflag:$0x3] =	sbarrier.arrive $0xFFFF;
	s2 =	simm.s32 @!p0 $0x1C03  }
0xe3: {  	[timem:s3], [sflag:s2] =	dma.local @!p0 [hbm:s0], s1  }
0xe4: {  	s0 =	simm.s32 @!p0 $0x3  }
0xe5: {  	_ =	swait.ge @!p0 [sflag:s0], s1  }
0xe6: {  	s1 =	ssub.s32 @!p0 $0x0, s1;
	[sflag:s0] =	ssyncset.done @!p0 $0x0  }
0xe7: {  	[sflag:s0] =	ssyncadd.s32 @!p0 s1  }
0xe8: {  	[bflag:$0x3] =	sbarrier.arrive $0xFFFF  }
0xe9: {  	_ =	shalt  }

// kernel: kernel.15.cloned.1.call-start
scs
__scs_entry_jumppad:
0x0: {  	(pc) =	sbr.rel $0x88, $3  }
0x1: {  	(tag) =	ssettag $0x0;
	lr =	simm.s32 $0x1  }
0x2: {  	[smem:$0x3F9A] =	sst lr;
	_ =	strace $0xD0000000  }
0x3: {  	_ = 	snop  }
0x4: {  	_ = 	snop  }
0x5: {  	_ = 	snop  }
0x6: {  	_ = 	snop  }
0x7: {  	_ = 	snop  }
__scs_overlays_trampoline_lowered:
0x8: {  	[smem:$0x3FA9] =	sst s0  }
0x9: {  	[smem:$0x3FAA] =	sst s1  }
0xa: {  	[smem:$0x3FAB] =	sst s2  }
0xb: {  	[smem:$0x3FAC] =	sst s3  }
0xc: {  	[smem:$0x3FAD] =	sst s4  }
0xd: {  	[smem:$0x3FAE] =	sst s5  }
0xe: {  	[smem:$0x3FAF] =	sst s6  }
0xf: {  	[smem:$0x3FB0] =	sst s7  }
0x10: {  	[smem:$0x3FB1] =	sst s8  }
0x11: {  	[smem:$0x3FB2] =	sst s9;
	s0 =	simm.s32 @!p0 $0x0  }
0x12: {  	s1 =	sld [smem:$0x3F98];
	s0 =	simm.s32 @p0 $0x1  }
0x13: {  	[smem:$0x3FB3] =	sst s0;
	s0 =	simm.s32 @!p1 $0x0  }
0x14: {  	s2 =	sld [smem:$0x3F97];
	s0 =	simm.s32 @p1 $0x1  }
0x15: {  	[smem:$0x3FB4] =	sst s0;
	s0 =	simm.s32 @!p2 $0x0  }
0x16: {  	s3 =	sld [smem:$0x3FDB];
	s0 =	simm.s32 @p2 $0x1  }
0x17: {  	s4 =	simm.s32 $0x1BF5;
	[smem:$0x3FB6] =	sst s0  }
0x18: {  	s0 =	sld [smem:$0x3F99];
	_ =	swait.ge [sflag:s4], $0x0  }
0x19: {  	s7 =	sld [smem:$0x3F9A]  }
0x1a: {  	s8 =	sadd.s32 $0xFFFFE003, lr  }
0x1b: {  	s9 =	sadd.s32 $0xFFFFFEF7, lr;
	s5 =	simm.s32 $0xFFFFFFFF;
	p2 =	slt.u32 s8, $0xFFFFF086  }
0x1c: {  	p1 =	slt.u32 s9, $0xF7A;
	s5 =	simm.s32 @!p2 $0x0  }
0x1d: {  	s5 =	simm.s32 @p1 $0x1;
	p0 =	seq.s32 s7, s2  }
0x1e: {  	s7 =	smul.u32 @!p0 $0xF7A, s2;
	p2 =	seq.s32 @!p0 s5, $0x0  }
0x1f: {  	s9 =	smul.u32 $0xF7A, s1;
	s8 =	simm.s32 @!p0 $0x1BF5;
	p2 =	por !p2, p0  }
0x20: {  	[sflag:s8] =	ssyncset.s32 @!p0 $0xFFFFF086;
	s6 =	sadd.s32 @!p0 s3, s7;
	s7 =	simm.s32 @!p0 $0x108  }
0x21: {  	s3 =	sadd.s32 s3, s9;
	s6 =	sadd.s32 @!p0 $0x88, s6;
	s7 =	simm.s32 @p2 $0x1082  }
0x22: {  	[simem:s7], [sflag:s8] =	dma.local @!p0 [hbm:s6], $0xF7A  }
0x23: {  	s9 =	sor.u32 $0xD0000000, s2;
	s6 =	simm.s32 $0x108;
	_ =	swait.ge @!p0 [sflag:s8], $0x0  }
0x24: {  	s3 =	sadd.s32 $0x88, s3;
	s6 =	simm.s32 @!p1 $0x1082;
	[sflag:s4] =	ssyncset.s32 $0xFFFFF086  }
0x25: {  	[simem:s6], [sflag:s4] =	dma.local [hbm:s3], $0xF7A  }
0x26: {  	[smem:$0x3F9A] =	sst s1;
	(tag) =	ssettag s2;
	_ =	strace s9  }
0x27: {  	s1 =	sld [smem:$0x3FAA]  }
0x28: {  	s2 =	sld [smem:$0x3FAB]  }
0x29: {  	s4 =	sld [smem:$0x3FAD]  }
0x2a: {  	p0 =	seq.s32 s5, $0x0;
	s5 =	sld [smem:$0x3FAE]  }
0x2b: {  	s6 =	sld [smem:$0x3FAF]  }
0x2c: {  	s7 =	sld [smem:$0x3FB0]  }
0x2d: {  	s3 =	simm.s32 $0x108;
	s8 =	sld [smem:$0x3FB1]  }
0x2e: {  	s3 =	simm.s32 @!p0 $0x1082;
	s9 =	sld [smem:$0x3FB2]  }
0x2f: {  	lr =	sadd.s32 s0, s3;
	s0 =	sld [smem:$0x3FA9]  }
0x30: {  	s3 =	sld [smem:$0x3FAC]  }
0x31: {  	[smem:$0x3FB5] =	sst s10  }
0x32: {  	s10 =	sld [smem:$0x3FB3];
	_ =	sdelay $0x3  }
0x33: {  	p0 =	seq.s32 s10, $0x1;
	s10 =	sld [smem:$0x3FB5];
	_ =	sdelay $0x3  }
0x34: {  	[smem:$0x3FB5] =	sst s10  }
0x35: {  	s10 =	sld [smem:$0x3FB4];
	_ =	sdelay $0x3  }
0x36: {  	p1 =	seq.s32 s10, $0x1;
	s10 =	sld [smem:$0x3FB5];
	_ =	sdelay $0x3  }
0x37: {  	[smem:$0x3FB5] =	sst s10  }
0x38: {  	s10 =	sld [smem:$0x3FB6]  }
0x39: {  	_ = 	snop;
	(pc) =	sbr.ind lr, $3  }
0x3a: {  	_ = 	snop  }
0x3b: {  	_ = 	snop  }
0x3c: {  	p2 =	seq.s32 s10, $0x1;
	s10 =	sld [smem:$0x3FB5]  }
0x3d: {  	_ =	shalt  }
0x3e: {  	_ =	shalt  }
0x3f: {  	_ =	shalt  }
0x40: {  	_ =	shalt  }
0x41: {  	_ =	shalt  }
0x42: {  	_ =	shalt  }
0x43: {  	_ =	shalt  }
0x44: {  	_ =	shalt  }
0x45: {  	_ =	shalt  }
0x46: {  	_ =	shalt  }
0x47: {  	_ =	shalt  }
0x48: {  	_ =	shalt  }
0x49: {  	_ =	shalt  }
0x4a: {  	_ =	shalt  }
0x4b: {  	_ =	shalt  }
0x4c: {  	_ =	shalt  }
0x4d: {  	_ =	shalt  }
0x4e: {  	_ =	shalt  }
0x4f: {  	_ =	shalt  }
0x50: {  	_ =	shalt  }
0x51: {  	_ =	shalt  }
0x52: {  	_ =	shalt  }
0x53: {  	_ =	shalt  }
0x54: {  	_ =	shalt  }
0x55: {  	_ =	shalt  }
0x56: {  	_ =	shalt  }
0x57: {  	_ =	shalt  }
0x58: {  	_ =	shalt  }
0x59: {  	_ =	shalt  }
0x5a: {  	_ =	shalt  }
0x5b: {  	_ =	shalt  }
0x5c: {  	_ =	shalt  }
0x5d: {  	_ =	shalt  }
0x5e: {  	_ =	shalt  }
0x5f: {  	_ =	shalt  }
0x60: {  	_ =	shalt  }
0x61: {  	_ =	shalt  }
0x62: {  	_ =	shalt  }
0x63: {  	_ =	shalt  }
0x64: {  	_ =	shalt  }
0x65: {  	_ =	shalt  }
0x66: {  	_ =	shalt  }
0x67: {  	_ =	shalt  }
0x68: {  	_ =	shalt  }
0x69: {  	_ =	shalt  }
0x6a: {  	_ =	shalt  }
0x6b: {  	_ =	shalt  }
0x6c: {  	_ =	shalt  }
0x6d: {  	_ =	shalt  }
0x6e: {  	_ =	shalt  }
0x6f: {  	_ =	shalt  }
0x70: {  	_ =	shalt  }
0x71: {  	_ =	shalt  }
0x72: {  	_ =	shalt  }
0x73: {  	_ =	shalt  }
0x74: {  	_ =	shalt  }
0x75: {  	_ =	shalt  }
0x76: {  	_ =	shalt  }
0x77: {  	_ =	shalt  }
0x78: {  	_ =	shalt  }
0x79: {  	_ =	shalt  }
0x7a: {  	_ =	shalt  }
0x7b: {  	_ =	shalt  }
0x7c: {  	_ =	shalt  }
0x7d: {  	_ =	shalt  }
0x7e: {  	_ =	shalt  }
0x7f: {  	_ =	shalt  }
0x80: {  	_ =	shalt  }
0x81: {  	_ =	shalt  }
0x82: {  	_ =	shalt  }
0x83: {  	_ =	shalt  }
0x84: {  	_ =	shalt  }
0x85: {  	_ =	shalt  }
0x86: {  	_ =	shalt  }
0x87: {  	_ =	shalt  }
.Lfunc_end0:
.L_simem_size_0:
called_computation.2_lowered:
.L_overlay_start_0:
0x88: {  	s2 =	sld [smem:$0x3FD9]  }
0x89: {  	s3 =	sld [smem:$0x3FFE];
	_ =	sdelay $0x1  }
0x8a: {  	s1 =	srdreg.scid  }
0x8b: {  	s0 =	sand.u32 $0x1, s1  }
0x8c: {  	s16 =	sshll.u32 s0, $0xA;
	s2 =	sadd.s32 s3, s2  }
0x8d: {  	s2 =	sadd.s32 s2, s16  }
0x8e: {  	[smem:$0x3FC1] =	sst s2  }
0x8f: {  	_ = 	snop  }
0x90: {  	(tm) =	ssettm $0x1  }
0x91: {  	s17 =	sld [smem:$0x3FFB];
	_ =	sdelay $0x3  }
0x92: {  	_ =	strace s17  }
0x93: {  	s2 =	sld [smem:$0x3FFC];
	_ =	sdelay $0x3  }
0x94: {  	_ =	strace s2  }
0x95: {  	s2 =	sld [smem:$0x3FFD];
	_ =	sdelay $0x3  }
0x96: {  	_ =	strace s2  }
0x97: {  	_ =	strace $0x8FFFFFFF  }
0x98: {  	s18 =	sld [smem:$0x3FDB];
	_ =	sdelay $0x1  }
0x99: {  	s19 =	simm.s32 $_scs_section_size  }
0x9a: {  	s4 =	simm.s32 $_size__tile_overlayer_lowered;
	s5 =	simm.s32 $_tile_overlayer_lowered  }
0x9b: {  	s22 =	simm.s32 $0x1BFF;
	s21 =	sshll.u32 s5, $0x1;
	s2 =	sadd.s32 s19, s18  }
0x9c: {  	s6 =	simm.s32 $0x0;
	s20 =	sshll.u32 s4, $0x1;
	s4 =	sadd.s32 s21, s2  }
0x9d: {  	[timem:s6], [sflag:s22] =	dma.local [hbm:s4], s20  }
0x9e: {  	_ =	swait.ge [sflag:s22], s20  }
0x9f: {  	s3 =	ssub.s32 $0x0, s20;
	[sflag:s22] =	ssyncset.done $0x0  }
0xa0: {  	[sflag:s22] =	ssyncadd.s32 s3;
	_ =	sdelay $0x1  }
0xa1: {  	s23 =	simm.s32 $0x1B8B  }
0xa2: {  	_ =	swait.ge [sflag:s23], $0x1  }
0xa3: {  	[sflag:s23] =	ssyncset.done $0x0  }
0xa4: {  	s25 =	simm.s32 $0x1B8E;
	s24 =	sld [smem:$0x3FFE];
	[sflag:s23] =	ssyncadd.s32 $0xFFFFFFFF  }
0xa5: {  	s26 =	simm.s32 $execute0_lowered;
	[smem:$0x3FD2] =	sst s25  }
0xa6: {  	s4 =	sshll.u32 s26, $0x1;
	_ =	strace $0x8000004C;
	[dreg:$0x1] =	wrdreg $0xFFFFFFFF  }
0xa7: {  	s28 =	simm.s32 $_size_execute0_lowered;
	s2 =	sadd.s32 s2, s4;
	[dreg:$0x0] =	wrdreg $0x0  }
0xa8: {  	s4 =	sshll.u32 s28, $0x1;
	[dreg:$0x2] =	wrdreg s2  }
0xa9: {  	[dreg:$0x3] =	wrdreg s4  }
0xaa: {  	[dreg:$0x4] =	wrdreg $0xC0  }
0xab: {  	_ =	task [dreg:s6], $0x5FFFF  }
0xac: {  	[dreg:$0x1] =	wrdreg $0xFFFFFFFF  }
0xad: {  	[dreg:$0x0] =	wrdreg $0x60  }
0xae: {  	[dreg:$0x2] =	wrdreg s24  }
0xaf: {  	[dreg:$0x3] =	wrdreg $0x82000  }
0xb0: {  	[dreg:$0x4] =	wrdreg $0x9  }
0xb1: {  	_ =	task.clear_ibuf [dreg:s6], $0x5FFFF;
	_ =	strace $0x9000004C  }
0xb2: {  	s29 =	simm.s32 $0x9;
	_ =	strace $0x8000004E  }
0xb3: {  	_ =	swait.ge [sflag:s29], $0x1  }
0xb4: {  	[sflag:s29] =	ssyncadd.s32 $0xFFFFFFFF  }
0xb5: {  	_ =	strace $0x9000004E  }
0xb6: {  	_ =	sfence  }
0xb7: {  	s30 =	sld [smem:$0x0];
	_ =	sdelay $0x2  }
0xb8: {  	s31 =	sshll.u32 s1, $0xD;
	s1 =	sshrl.u32 s1, $0x2  }
0xb9: {  	s3 =	sand.u32 $0x4000, s31;
	s1 =	sadd.s32 s1, s30  }
0xba: {  	s0 =	sor.u32 s3, s0;
	s1 =	sshll.u32 s1, $0x11  }
0xbb: {  	s0 =	sor.u32 s1, s0  }
0xbc: {  	s0 =	sadd.s32 $0x8F2B, s0  }
0xbd: {  	[sflag:s0] =	ssyncadd.remote.s32 $0x1  }
0xbe: {  	_ =	sfence.sel $0xFFFF  }
0xbf: {  	[dreg:$0x0] =	wrdreg $0xFFFFFFFF;
	(pc) =	sbr.abs _section_cstart, $3  }
0xc0: {  	[dreg:$0x1] =	wrdreg $0xFFFFFFFF  }
0xc1: {  	_ =	task.clear_ibuf [dreg:s6], $0x2FFFF;
	_ =	strace $0x9FFFFFFF  }
0xc2: {  	(tm) =	ssettm $0x7FFFFFFF  }
0xc3: {  	_ =	shalt  }
tec
execute0_lowered:
.L_overlay_start_1:
0x0: {  	(tag) =	ssettag $0x1  }
0x1: {  	s9 =	stileid.u32  }
0x2: {  	s0 =	rddreg [dreg:$0x0];
	s1 =	smul.u32 $0x74, s9  }
0x3: {  	s2 =	rddreg [dreg:$0x1];
	s5 =	smul.u32 $0x2C, s9  }
0x4: {  	s4 =	srdreg.scid;
	s3 =	simm.s32 $0x0;
	s7 =	smul.u32 $0x280, s9  }
0x5: {  	s28 =	simm.s32 $0x0;
	s6 =	sand.u32 $0x1, s4;
	s22 =	smul.u32 $0x50000, s9  }
0x6: {  	[smem:$0x7FF] =	sst s3;
	s4 =	sadd.s32 $0xDE00, s0;
	s8 =	smul.u32 $0x2800, s6  }
0x7: {  	_ =	strace $0x8000004D;
	p0 =	seq.s32 s6, $0x0;
	s5 =	sadd.s32 $0x740, s5  }
0x8: {  	s24 =	ssub.s32 $0x2, s6;
	s5 =	smov.u32 @p0 s1;
	s21 =	sadd.s32 s8, s7  }
0x9: {  	s6 =	sshrl.u32 s24, $0x1;
	s5 =	sshll.u32 s5, $0x4;
	s1 =	sshll.u32 s21, $0x4  }
0xa: {  	s7 =	sshrl.u32 s22, $0x2;
	s23 =	sadd.s32 s5, s0;
	s0 =	sadd.s32 s1, s0  }
0xb: {  	s5 =	simm.s32 $0x3A;
	s1 =	ssub.s32 s24, s6;
	s6 =	sadd.s32 s7, s2  }
0xc: {  	s24 =	simm.s32 $0x200;
	s5 =	simm.s32 @!p0 $0x16;
	s25 =	sadd.s32 $0x85000, s23  }
0xd: {  	s26 =	sadd.s32 $0x3E00, s23;
	s1 =	smax.u32 s1, $0x1;
	s11 =	sadd.s32 $0x4000, s6  }
0xe: {  	s12 =	sadd.s32 $0x8000, s6;
	s13 =	sadd.s32 $0xC000, s6;
	s14 =	sadd.s32 $0x10000, s6  }
0xf: {  	s29 =	sadd.s32 $0x8F000, s0;
	s30 =	sadd.s32 $0x8F800, s0;
	[dreg:$0x3] =	wrdreg s25  }
0x10: {  	s31 =	sadd.s32 $0x90000, s0;
	s18 =	sadd.s32 $0x90800, s0;
	[dreg:$0x4] =	wrdreg s26  }
0x11: {  	s19 =	sadd.s32 $0x91000, s0;
	s20 =	sadd.s32 $0x85010, s23;
	[dreg:$0x5] =	wrdreg s1  }
0x12: {  	s21 =	sadd.s32 $0x3E10, s23;
	s22 =	sadd.s32 $0x85020, s23;
	[dreg:$0x6] =	wrdreg s29  }
0x13: {  	s23 =	sadd.s32 $0x3E20, s23;
	s9 =	sadd.s32 $0xFFFFFFFF, s5;
	[dreg:$0x7] =	wrdreg s30  }
0x14: {  	v0 =	vimm.f32 $0.0e+00;
	[dreg:$0x8] =	wrdreg s31;
	s25 =	simm.s32 $0x3;
	s26 =	simm.s32 $0x80  }
.LBB2_1:
0x15: {  	s0 =	simm.s32 $0x0;
	s1 =	simm.s32 $0x200  }
.LBB2_2:
0x16: {  	p0 =	sne.s32 s1, $0xFE00;
	[tilespmem:s0+$0x270] =	vst v0  }
0x17: {  	[tilespmem:s0+$0x200] =	vst v0  }
0x18: {  	[tilespmem:s0+$0x210] =	vst v0  }
.Ltmp0:
0x19: {  	[tilespmem:s0+$0x220] =	vst v0;
	(pc) =	sbr.rel @p0 .LBB2_2-.Ltmp0, $4  }
0x1a: {  	[tilespmem:s0+$0x230] =	vst v0  }
0x1b: {  	[tilespmem:s0+$0x240] =	vst v0  }
0x1c: {  	[tilespmem:s0+$0x250] =	vst v0  }
0x1d: {  	[tilespmem:s0+$0x260] =	vst v0;
	s0 =	sshra.s32 s1, $0x2;
	s1 =	sadd.s32 $0x200, s1  }
0x1e: {  	[tilespmem:s0+$0x270] =	vst v0  }
0x1f: {  	[tilespmem:s0+$0x200] =	vst v0  }
0x20: {  	[tilespmem:s0+$0x210] =	vst v0  }
0x21: {  	[tilespmem:s0+$0x220] =	vst v0  }
0x22: {  	[tilespmem:s0+$0x230] =	vst v0  }
0x23: {  	[tilespmem:s0+$0x240] =	vst v0  }
0x24: {  	[tilespmem:s0+$0x250] =	vst v0  }
0x25: {  	[tilespmem:s0+$0x260] =	vst v0  }
0x26: {  	[spmem:s6] =	stream.linear.scatter [tilespmem:s24], [sflag:$0x3], $0x4000, $0x38;
	[tilespmem:$0x1C200] =	vst v63  }
0x27: {  	_ =	swait.ge [sflag:s25], $0x4000  }
0x28: {  	[sflag:s25] =	ssyncset.done $0x0  }
0x29: {  	[sflag:s25] =	ssyncadd.s32 $0xFFFFC000  }
0x2a: {  	[spmem:s11] =	stream.linear.scatter [tilespmem:s24], [sflag:$0x3], $0x4000, $0x38;
	[tilespmem:$0x1C200] =	vst v63  }
0x2b: {  	_ =	swait.ge [sflag:s25], $0x4000  }
0x2c: {  	[sflag:s25] =	ssyncset.done $0x0  }
0x2d: {  	[sflag:s25] =	ssyncadd.s32 $0xFFFFC000  }
0x2e: {  	[spmem:s12] =	stream.linear.scatter [tilespmem:s24], [sflag:$0x3], $0x4000, $0x38;
	[tilespmem:$0x1C200] =	vst v63  }
0x2f: {  	_ =	swait.ge [sflag:s25], $0x4000  }
0x30: {  	[sflag:s25] =	ssyncset.done $0x0  }
0x31: {  	[sflag:s25] =	ssyncadd.s32 $0xFFFFC000  }
0x32: {  	[spmem:s13] =	stream.linear.scatter [tilespmem:s24], [sflag:$0x3], $0x4000, $0x38;
	[tilespmem:$0x1C200] =	vst v63  }
0x33: {  	_ =	swait.ge [sflag:s25], $0x4000  }
0x34: {  	[sflag:s25] =	ssyncset.done $0x0  }
0x35: {  	[sflag:s25] =	ssyncadd.s32 $0xFFFFC000  }
0x36: {  	[spmem:s14] =	stream.linear.scatter [tilespmem:s24], [sflag:$0x3], $0x4000, $0x38;
	[tilespmem:$0x1C200] =	vst v63  }
0x37: {  	_ =	swait.ge [sflag:s25], $0x4000  }
0x38: {  	[sflag:s25] =	ssyncset.done $0x0  }
0x39: {  	[sflag:s25] =	ssyncadd.s32 $0xFFFFC000  }
0x3a: {  	[bflag:$0x0] =	sbarrier.arrive $0xFFFF  }
0x3b: {  	s16 =	simm.s32 $0x0;
	s1 =	rddreg [dreg:$0x3]  }
0x3c: {  	[tilespmem:s16], [sflag:$0x3] =	stream.linear.gather [hbm4b:s1+s16], $0x80, $0x38;
	[tilespmem:$0x1C200] =	vst v63  }
0x3d: {  	_ =	swait.ge [sflag:s25], $0x80  }
0x3e: {  	[sflag:s25] =	ssyncset.done $0x0  }
0x3f: {  	s17 =	rddreg [dreg:$0x4];
	[sflag:s25] =	ssyncadd.s32 $0xFFFFFF80  }
0x40: {  	[tilespmem:s26], [sflag:$0x3] =	stream.linear.gather [hbm4b:s17+s16], $0x80, $0x38;
	[tilespmem:$0x1C200] =	vst v63  }
0x41: {  	_ =	swait.ge [sflag:s25], $0x80  }
0x42: {  	p0 =	sle.u32 s5, $0x0;
	[sflag:s25] =	ssyncset.done $0x0  }
0x43: {  	s0 =	sadd.s32 @!p0 $0x0, s20;
	[sflag:s25] =	ssyncadd.s32 $0xFFFFFF80  }
0x44: {  	[tilespmem:s24], [sflag:$0x1] =	stream.indirect.gather [hbm4b:s4+s26], $0x80, s16, s26, $0xb8;
	[tilespmem:$0x1C200] =	vst v63  }
0x45: {  	s29 =	simm.s32 @!p0 $0x100;
	s30 =	simm.s32 @!p0 $0x4;
	s1 =	simm.s32 @!p0 $0x0  }
0x46: {  	[tilespmem:s29], [sflag:$0x4] =	stream.linear.gather @!p0 [hbm4b:s0+s1], $0x80, $0x38;
	[tilespmem:$0x1C200] =	vst v63  }
0x47: {  	_ =	swait.ge @!p0 [sflag:s30], $0x80  }
0x48: {  	s31 =	simm.s32 @!p0 $0x180;
	[sflag:s30] =	ssyncset.done @!p0 $0x0  }
0x49: {  	s0 =	sadd.s32 @!p0 $0x0, s21;
	[sflag:s30] =	ssyncadd.s32 @!p0 $0xFFFFFF80;
	p0 =	por p0, p0  }
0x4a: {  	[tilespmem:s31], [sflag:$0x4] =	stream.linear.gather @!p0 [hbm4b:s0+s1], $0x80, $0x38;
	[tilespmem:$0x1C200] =	vst v63  }
0x4b: {  	_ =	swait.ge @!p0 [sflag:s30], $0x80  }
0x4c: {  	s0 =	simm.s32 @!p0 $0x80;
	[sflag:s30] =	ssyncset.done @!p0 $0x0  }
0x4d: {  	s1 =	simm.s32 @!p0 $0x4200;
	s7 =	simm.s32 @!p0 $0x1;
	[sflag:s30] =	ssyncadd.s32 @!p0 $0xFFFFFF80  }
0x4e: {  	[tilespmem:s1], [sflag:$0x2] =	stream.indirect.gather @!p0 [hbm4b:s4+s0], $0x80, s29, s0, $0xb8;
	[tilespmem:$0x1C200] =	vst v63  }
0x4f: {  	_ =	swait.ge @!p0 [sflag:s7], $0x4000  }
0x50: {  	[sflag:s7] =	ssyncset.done @!p0 $0x0  }
0x51: {  	p1 =	sle.u32 @!p0 s9, $0x0;
	s29 =	simm.s32 @!p0 $0x200;
	[sflag:s7] =	ssyncadd.s32 @!p0 $0xFFFFC000  }
0x52: {  	[spmem:s2] =	stream.indirect.scatter.add.f32 @!p0 [tilespmem:s29], [sflag:$0x4], $0x80, s0, s0, $0xb8;
	[tilespmem:$0x1C200] =	vst v63  }
0x53: {  	p1 =	por p1, p0;
	_ =	swait.ge @!p0 [sflag:s30], $0x4000  }
0x54: {  	s7 =	sadd.s32 @!p1 $0x0, s22;
	[sflag:s30] =	ssyncset.done @!p0 $0x0  }
0x55: {  	s29 =	simm.s32 @!p1 $0x0;
	[sflag:s30] =	ssyncadd.s32 @!p0 $0xFFFFC000;
	s30 =	simm.s32 @!p1 $0x4  }
0x56: {  	[tilespmem:s29], [sflag:$0x4] =	stream.linear.gather @!p1 [hbm4b:s7+s29], $0x80, $0x38;
	[tilespmem:$0x1C200] =	vst v63  }
0x57: {  	_ =	swait.ge @!p1 [sflag:s30], $0x80  }
0x58: {  	[sflag:s30] =	ssyncset.done @!p1 $0x0  }
0x59: {  	s8 =	simm.s32 @!p1 $0x80;
	s7 =	sadd.s32 @!p1 $0x0, s23;
	[sflag:s30] =	ssyncadd.s32 @!p1 $0xFFFFFF80  }
0x5a: {  	[tilespmem:s8], [sflag:$0x4] =	stream.linear.gather @!p1 [hbm4b:s7+s29], $0x80, $0x38;
	[tilespmem:$0x1C200] =	vst v63  }
0x5b: {  	_ =	swait.ge @!p1 [sflag:s30], $0x80  }
0x5c: {  	[sflag:s30] =	ssyncset.done @!p1 $0x0  }
0x5d: {  	s7 =	simm.s32 @!p1 $0x200;
	[sflag:s30] =	ssyncadd.s32 @!p1 $0xFFFFFF80  }
0x5e: {  	[tilespmem:s7], [sflag:$0x1] =	stream.indirect.gather @!p1 [hbm4b:s4+s8], $0x80, s29, s8, $0xb8;
	[tilespmem:$0x1C200] =	vst v63  }
0x5f: {  	s7 =	simm.s32 @!p0 $0x2  }
0x60: {  	_ =	swait.ge @!p0 [sflag:s7], $0x4000  }
0x61: {  	[sflag:s7] =	ssyncset.done @!p0 $0x0  }
0x62: {  	[sflag:s7] =	ssyncadd.s32 @!p0 $0xFFFFC000  }
0x63: {  	[spmem:s2] =	stream.indirect.scatter.add.f32 @!p0 [tilespmem:s1], [sflag:$0x3], $0x80, s31, s0, $0xb8;
	[tilespmem:$0x1C200] =	vst v63  }
0x64: {  	p2 =	sle.u32 s5, $0x1;
	s30 =	simm.s32 $0x1;
	s1 =	simm.s32 @!p0 $0x3  }
0x65: {  	s29 =	simm.s32 $0x20;
	s31 =	simm.s32 $0x40;
	_ =	swait.ge @!p0 [sflag:s1], $0x4000  }
.LBB2_4:
0x66: {  	s0 =	sadd.s32 @!p2 s29, s20;
	s7 =	simm.s32 @!p2 $0x0;
	[sflag:s1] =	ssyncset.done @!p0 $0x0  }
0x67: {  	s8 =	simm.s32 @!p2 $0x100;
	s10 =	simm.s32 @!p2 $0x4;
	[sflag:s1] =	ssyncadd.s32 @!p0 $0xFFFFC000  }
0x68: {  	[tilespmem:s8], [sflag:$0x4] =	stream.linear.gather @!p2 [hbm4b:s0+s7], $0x80, $0x38;
	[tilespmem:$0x1C200] =	vst v63  }
0x69: {  	s1 =	smov.u32 s31;
	s31 =	sadd.s32 $0x20, s31;
	_ =	swait.ge @!p2 [sflag:s10], $0x80  }
0x6a: {  	s15 =	sadd.s32 @!p2 s29, s21;
	s0 =	simm.s32 @!p2 $0x180;
	[sflag:s10] =	ssyncset.done @!p2 $0x0  }
0x6b: {  	p0 =	por p2, p2;
	p1 =	sne.s32 s31, $0x740;
	[sflag:s10] =	ssyncadd.s32 @!p2 $0xFFFFFF80  }
0x6c: {  	[tilespmem:s0], [sflag:$0x4] =	stream.linear.gather @!p0 [hbm4b:s15+s7], $0x80, $0x38;
	[tilespmem:$0x1C200] =	vst v63  }
0x6d: {  	_ =	swait.ge @!p0 [sflag:s10], $0x80  }
0x6e: {  	s7 =	simm.s32 @!p0 $0x80;
	s15 =	simm.s32 @!p0 $0x4200;
	[sflag:s10] =	ssyncset.done @!p0 $0x0  }
0x6f: {  	s16 =	simm.s32 @!p0 $0x1;
	[sflag:s10] =	ssyncadd.s32 @!p0 $0xFFFFFF80  }
0x70: {  	[tilespmem:s15], [sflag:$0x2] =	stream.indirect.gather @!p0 [hbm4b:s4+s7], $0x80, s8, s7, $0xb8;
	[tilespmem:$0x1C200] =	vst v63  }
0x71: {  	_ =	swait.ge @!p0 [sflag:s16], $0x4000  }
0x72: {  	s8 =	simm.s32 @!p0 $0x200;
	[sflag:s16] =	ssyncset.done @!p0 $0x0  }
0x73: {  	p2 =	sge.u32 @!p0 s30, s9;
	[sflag:s16] =	ssyncadd.s32 @!p0 $0xFFFFC000  }
0x74: {  	[spmem:s2] =	stream.indirect.scatter.add.f32 @!p0 [tilespmem:s8], [sflag:$0x4], $0x80, s7, s7, $0xb8;
	[tilespmem:$0x1C200] =	vst v63  }
0x75: {  	p2 =	por p2, p0;
	_ =	swait.ge @!p0 [sflag:s10], $0x4000  }
0x76: {  	s16 =	simm.s32 @!p2 $0x0;
	s8 =	sadd.s32 @!p2 s29, s22;
	[sflag:s10] =	ssyncset.done @!p0 $0x0  }
0x77: {  	[sflag:s10] =	ssyncadd.s32 @!p0 $0xFFFFC000;
	s10 =	simm.s32 @!p2 $0x4  }
0x78: {  	[tilespmem:s16], [sflag:$0x4] =	stream.linear.gather @!p2 [hbm4b:s8+s16], $0x80, $0x38;
	[tilespmem:$0x1C200] =	vst v63  }
0x79: {  	_ =	swait.ge @!p2 [sflag:s10], $0x80  }
0x7a: {  	s17 =	simm.s32 @!p2 $0x80;
	s8 =	sadd.s32 @!p2 s29, s23;
	[sflag:s10] =	ssyncset.done @!p2 $0x0  }
0x7b: {  	s29 =	smov.u32 s1;
	[sflag:s10] =	ssyncadd.s32 @!p2 $0xFFFFFF80  }
0x7c: {  	[tilespmem:s17], [sflag:$0x4] =	stream.linear.gather @!p2 [hbm4b:s8+s16], $0x80, $0x38;
	[tilespmem:$0x1C200] =	vst v63  }
0x7d: {  	_ =	swait.ge @!p2 [sflag:s10], $0x80  }
0x7e: {  	s1 =	simm.s32 @!p2 $0x200;
	[sflag:s10] =	ssyncset.done @!p2 $0x0  }
0x7f: {  	s8 =	simm.s32 @!p0 $0x2;
	[sflag:s10] =	ssyncadd.s32 @!p2 $0xFFFFFF80  }
0x80: {  	[tilespmem:s1], [sflag:$0x1] =	stream.indirect.gather @!p2 [hbm4b:s4+s17], $0x80, s16, s17, $0xb8;
	[tilespmem:$0x1C200] =	vst v63  }
.Ltmp1:
0x81: {  	_ =	swait.ge @!p0 [sflag:s8], $0x4000;
	(pc) =	sbr.rel @p1 .LBB2_4-.Ltmp1, $4  }
0x82: {  	[sflag:s8] =	ssyncset.done @!p0 $0x0  }
0x83: {  	s30 =	sadd.s32 $0x1, s30;
	s1 =	simm.s32 @!p0 $0x3;
	[sflag:s8] =	ssyncadd.s32 @!p0 $0xFFFFC000  }
0x84: {  	[spmem:s2] =	stream.indirect.scatter.add.f32 @!p0 [tilespmem:s15], [sflag:$0x3], $0x80, s0, s7, $0xb8;
	[tilespmem:$0x1C200] =	vst v63  }
0x85: {  	p2 =	sge.u32 s30, s5;
	_ =	swait.ge @!p0 [sflag:s1], $0x4000  }
0x86: {  	s0 =	sadd.s32 @!p2 s29, s20;
	s7 =	simm.s32 @!p2 $0x0;
	[sflag:s1] =	ssyncset.done @!p0 $0x0  }
0x87: {  	s8 =	simm.s32 @!p2 $0x100;
	s10 =	simm.s32 @!p2 $0x4;
	[sflag:s1] =	ssyncadd.s32 @!p0 $0xFFFFC000  }
0x88: {  	[tilespmem:s8], [sflag:$0x4] =	stream.linear.gather @!p2 [hbm4b:s0+s7], $0x80, $0x38;
	[tilespmem:$0x1C200] =	vst v63  }
0x89: {  	_ =	swait.ge @!p2 [sflag:s10], $0x80  }
0x8a: {  	s1 =	simm.s32 @!p2 $0x180;
	[sflag:s10] =	ssyncset.done @!p2 $0x0  }
0x8b: {  	p0 =	por p2, p2;
	s0 =	sadd.s32 @!p2 s29, s21;
	[sflag:s10] =	ssyncadd.s32 @!p2 $0xFFFFFF80  }
0x8c: {  	[tilespmem:s1], [sflag:$0x4] =	stream.linear.gather @!p0 [hbm4b:s0+s7], $0x80, $0x38;
	[tilespmem:$0x1C200] =	vst v63  }
0x8d: {  	_ =	swait.ge @!p0 [sflag:s10], $0x80  }
0x8e: {  	[sflag:s10] =	ssyncset.done @!p0 $0x0  }
0x8f: {  	s0 =	simm.s32 @!p0 $0x80;
	s7 =	simm.s32 @!p0 $0x4200;
	[sflag:s10] =	ssyncadd.s32 @!p0 $0xFFFFFF80  }
0x90: {  	[tilespmem:s7], [sflag:$0x2] =	stream.indirect.gather @!p0 [hbm4b:s4+s0], $0x80, s8, s0, $0xb8;
	[tilespmem:$0x1C200] =	vst v63  }
0x91: {  	s8 =	simm.s32 @!p0 $0x1  }
0x92: {  	_ =	swait.ge @!p0 [sflag:s8], $0x4000  }
0x93: {  	[sflag:s8] =	ssyncset.done @!p0 $0x0  }
0x94: {  	p1 =	sge.u32 @!p0 s30, s9;
	[sflag:s8] =	ssyncadd.s32 @!p0 $0xFFFFC000;
	s8 =	simm.s32 @!p0 $0x200  }
0x95: {  	[spmem:s2] =	stream.indirect.scatter.add.f32 @!p0 [tilespmem:s8], [sflag:$0x4], $0x80, s0, s0, $0xb8;
	[tilespmem:$0x1C200] =	vst v63  }
0x96: {  	p1 =	por p1, p0;
	_ =	swait.ge @!p0 [sflag:s10], $0x4000  }
0x97: {  	s15 =	simm.s32 @!p1 $0x0;
	[sflag:s10] =	ssyncset.done @!p0 $0x0  }
0x98: {  	s8 =	sadd.s32 @!p1 s29, s22;
	[sflag:s10] =	ssyncadd.s32 @!p0 $0xFFFFC000;
	s10 =	simm.s32 @!p1 $0x4  }
0x99: {  	[tilespmem:s15], [sflag:$0x4] =	stream.linear.gather @!p1 [hbm4b:s8+s15], $0x80, $0x38;
	[tilespmem:$0x1C200] =	vst v63  }
0x9a: {  	_ =	swait.ge @!p1 [sflag:s10], $0x80  }
0x9b: {  	[sflag:s10] =	ssyncset.done @!p1 $0x0  }
0x9c: {  	s16 =	simm.s32 @!p1 $0x80;
	s8 =	sadd.s32 @!p1 s29, s23;
	[sflag:s10] =	ssyncadd.s32 @!p1 $0xFFFFFF80  }
0x9d: {  	[tilespmem:s16], [sflag:$0x4] =	stream.linear.gather @!p1 [hbm4b:s8+s15], $0x80, $0x38;
	[tilespmem:$0x1C200] =	vst v63  }
0x9e: {  	_ =	swait.ge @!p1 [sflag:s10], $0x80  }
0x9f: {  	[sflag:s10] =	ssyncset.done @!p1 $0x0  }
0xa0: {  	s8 =	simm.s32 @!p1 $0x200;
	[sflag:s10] =	ssyncadd.s32 @!p1 $0xFFFFFF80  }
0xa1: {  	[tilespmem:s8], [sflag:$0x1] =	stream.indirect.gather @!p1 [hbm4b:s4+s16], $0x80, s15, s16, $0xb8;
	[tilespmem:$0x1C200] =	vst v63  }
0xa2: {  	s8 =	simm.s32 @!p0 $0x2  }
0xa3: {  	_ =	swait.ge @!p0 [sflag:s8], $0x4000  }
0xa4: {  	[sflag:s8] =	ssyncset.done @!p0 $0x0  }
0xa5: {  	[sflag:s8] =	ssyncadd.s32 @!p0 $0xFFFFC000  }
0xa6: {  	[spmem:s2] =	stream.indirect.scatter.add.f32 @!p0 [tilespmem:s7], [sflag:$0x3], $0x80, s1, s0, $0xb8;
	[tilespmem:$0x1C200] =	vst v63  }
0xa7: {  	s0 =	simm.s32 @!p0 $0x3  }
0xa8: {  	_ =	swait.ge @!p0 [sflag:s0], $0x4000  }
0xa9: {  	[sflag:s0] =	ssyncset.done @!p0 $0x0  }
0xaa: {  	[sflag:s0] =	ssyncadd.s32 @!p0 $0xFFFFC000  }
0xab: {  	[bflag:$0x0] =	sbarrier.arrive $0xFFFF  }
0xac: {  	[tilespmem:s24], [sflag:$0x3] =	stream.linear.gather [spmem:s6], $0x4000, $0x38;
	[tilespmem:$0x1C200] =	vst v63  }
0xad: {  	_ =	swait.ge [sflag:s25], $0x4000  }
0xae: {  	[sflag:s25] =	ssyncset.done $0x0  }
0xaf: {  	s17 =	rddreg [dreg:$0x6];
	[sflag:s25] =	ssyncadd.s32 $0xFFFFC000  }
0xb0: {  	[hbm4b:s17+s3] =	stream.linear.scatter [tilespmem:s24], [sflag:$0x3], $0x4000, $0x38;
	[tilespmem:$0x1C200] =	vst v63  }
0xb1: {  	_ =	swait.ge [sflag:s25], $0x4000  }
0xb2: {  	[sflag:s25] =	ssyncset.done $0x0  }
0xb3: {  	[sflag:s25] =	ssyncadd.s32 $0xFFFFC000  }
0xb4: {  	[tilespmem:s24], [sflag:$0x3] =	stream.linear.gather [spmem:s11], $0x4000, $0x38;
	[tilespmem:$0x1C200] =	vst v63  }
0xb5: {  	_ =	swait.ge [sflag:s25], $0x4000  }
0xb6: {  	[sflag:s25] =	ssyncset.done $0x0  }
0xb7: {  	s29 =	rddreg [dreg:$0x7];
	[sflag:s25] =	ssyncadd.s32 $0xFFFFC000  }
0xb8: {  	[hbm4b:s29+s3] =	stream.linear.scatter [tilespmem:s24], [sflag:$0x3], $0x4000, $0x38;
	[tilespmem:$0x1C200] =	vst v63  }
0xb9: {  	_ =	swait.ge [sflag:s25], $0x4000  }
0xba: {  	[sflag:s25] =	ssyncset.done $0x0  }
0xbb: {  	[sflag:s25] =	ssyncadd.s32 $0xFFFFC000  }
0xbc: {  	[tilespmem:s24], [sflag:$0x3] =	stream.linear.gather [spmem:s12], $0x4000, $0x38;
	[tilespmem:$0x1C200] =	vst v63  }
0xbd: {  	_ =	swait.ge [sflag:s25], $0x4000  }
0xbe: {  	[sflag:s25] =	ssyncset.done $0x0  }
0xbf: {  	s30 =	rddreg [dreg:$0x8];
	[sflag:s25] =	ssyncadd.s32 $0xFFFFC000  }
0xc0: {  	[hbm4b:s30+s3] =	stream.linear.scatter [tilespmem:s24], [sflag:$0x3], $0x4000, $0x38;
	[tilespmem:$0x1C200] =	vst v63  }
0xc1: {  	_ =	swait.ge [sflag:s25], $0x4000  }
0xc2: {  	[sflag:s25] =	ssyncset.done $0x0  }
0xc3: {  	[sflag:s25] =	ssyncadd.s32 $0xFFFFC000  }
0xc4: {  	[tilespmem:s24], [sflag:$0x3] =	stream.linear.gather [spmem:s13], $0x4000, $0x38;
	[tilespmem:$0x1C200] =	vst v63  }
0xc5: {  	_ =	swait.ge [sflag:s25], $0x4000  }
0xc6: {  	[sflag:s25] =	ssyncset.done $0x0  }
0xc7: {  	[sflag:s25] =	ssyncadd.s32 $0xFFFFC000  }
0xc8: {  	[hbm4b:s18+s3] =	stream.linear.scatter [tilespmem:s24], [sflag:$0x3], $0x4000, $0x38;
	[tilespmem:$0x1C200] =	vst v63  }
0xc9: {  	_ =	swait.ge [sflag:s25], $0x4000  }
0xca: {  	[sflag:s25] =	ssyncset.done $0x0  }
0xcb: {  	[sflag:s25] =	ssyncadd.s32 $0xFFFFC000  }
0xcc: {  	[tilespmem:s24], [sflag:$0x3] =	stream.linear.gather [spmem:s14], $0x4000, $0x38;
	[tilespmem:$0x1C200] =	vst v63  }
0xcd: {  	_ =	swait.ge [sflag:s25], $0x4000  }
0xce: {  	[sflag:s25] =	ssyncset.done $0x0  }
0xcf: {  	[sflag:s25] =	ssyncadd.s32 $0xFFFFC000  }
0xd0: {  	[hbm4b:s19+s3] =	stream.linear.scatter [tilespmem:s24], [sflag:$0x3], $0x4000, $0x38;
	[tilespmem:$0x1C200] =	vst v63  }
0xd1: {  	_ =	swait.ge [sflag:s25], $0x4000  }
0xd2: {  	s28 =	sadd.s32 $0x1, s28;
	s31 =	rddreg [dreg:$0x5]  }
0xd3: {  	p0 =	sne.s32 s28, s31  }
.Ltmp2:
0xd4: {  	_ = 	snop;
	(pc) =	sbr.rel @p0 .LBB2_1-.Ltmp2, $3  }
0xd5: {  	_ =	sdelay $0x1  }
0xd6: {  	[sflag:s25] =	ssyncset.done $0x0  }
0xd7: {  	[sflag:s25] =	ssyncadd.s32 $0xFFFFC000  }
0xd8: {  	_ =	sfence.sel $0x180000  }
0xd9: {  	[bflag:$0x0] =	sbarrier.arrive $0xFFFF  }
0xda: {  	_ =	strace $0x9000004D  }
0xdb: {  	s0 =	stileid.u32;
	[bflag:$0x2] =	sbarrier.arrive $0xFFFF  }
0xdc: {  	p0 =	sne.s32 s0, $0x0;
	s0 =	rddreg [dreg:$0x2]  }
0xdd: {  	s0 =	sadd.s32 @!p0 $0x100000, s0  }
0xde: {  	[sflag:s0] =	ssyncadd.tile.s32 @!p0 $0x1;
	_ =	shalt  }
.Lfunc_end2:
_tile_overlayer_lowered:
.L_overlay_start_2:
0xdf: {  	(tag) =	ssettag $0x2  }
0xe0: {  	s0 =	rddreg [dreg:$0x0];
	s2 =	stileid.u32  }
0xe1: {  	s1 =	rddreg [dreg:$0x1];
	p0 =	sne.s32 s2, $0x0  }
0xe2: {  	s3 =	rddreg [dreg:$0x2];
	[bflag:$0x3] =	sbarrier.arrive $0xFFFF;
	s2 =	simm.s32 @!p0 $0x1C03  }
0xe3: {  	[timem:s3], [sflag:s2] =	dma.local @!p0 [hbm:s0], s1  }
0xe4: {  	s0 =	simm.s32 @!p0 $0x3  }
0xe5: {  	_ =	swait.ge @!p0 [sflag:s0], s1  }
0xe6: {  	s1 =	ssub.s32 @!p0 $0x0, s1;
	[sflag:s0] =	ssyncset.done @!p0 $0x0  }
0xe7: {  	[sflag:s0] =	ssyncadd.s32 @!p0 s1  }
0xe8: {  	[bflag:$0x3] =	sbarrier.arrive $0xFFFF  }
0xe9: {  	_ =	shalt  }

// kernel: kernel.9.cloned.1.call-start
scs
__scs_entry_jumppad:
0x0: {  	(pc) =	sbr.rel $0x88, $3  }
0x1: {  	(tag) =	ssettag $0x0;
	lr =	simm.s32 $0x1  }
0x2: {  	[smem:$0x3F9A] =	sst lr;
	_ =	strace $0xD0000000  }
0x3: {  	_ = 	snop  }
0x4: {  	_ = 	snop  }
0x5: {  	_ = 	snop  }
0x6: {  	_ = 	snop  }
0x7: {  	_ = 	snop  }
__scs_overlays_trampoline_lowered:
0x8: {  	[smem:$0x3FA9] =	sst s0  }
0x9: {  	[smem:$0x3FAA] =	sst s1  }
0xa: {  	[smem:$0x3FAB] =	sst s2  }
0xb: {  	[smem:$0x3FAC] =	sst s3  }
0xc: {  	[smem:$0x3FAD] =	sst s4  }
0xd: {  	[smem:$0x3FAE] =	sst s5  }
0xe: {  	[smem:$0x3FAF] =	sst s6  }
0xf: {  	[smem:$0x3FB0] =	sst s7  }
0x10: {  	[smem:$0x3FB1] =	sst s8  }
0x11: {  	[smem:$0x3FB2] =	sst s9;
	s0 =	simm.s32 @!p0 $0x0  }
0x12: {  	s1 =	sld [smem:$0x3F98];
	s0 =	simm.s32 @p0 $0x1  }
0x13: {  	[smem:$0x3FB3] =	sst s0;
	s0 =	simm.s32 @!p1 $0x0  }
0x14: {  	s2 =	sld [smem:$0x3F97];
	s0 =	simm.s32 @p1 $0x1  }
0x15: {  	[smem:$0x3FB4] =	sst s0;
	s0 =	simm.s32 @!p2 $0x0  }
0x16: {  	s3 =	sld [smem:$0x3FDB];
	s0 =	simm.s32 @p2 $0x1  }
0x17: {  	s4 =	simm.s32 $0x1BF5;
	[smem:$0x3FB6] =	sst s0  }
0x18: {  	s0 =	sld [smem:$0x3F99];
	_ =	swait.ge [sflag:s4], $0x0  }
0x19: {  	s7 =	sld [smem:$0x3F9A]  }
0x1a: {  	s8 =	sadd.s32 $0xFFFFE003, lr  }
0x1b: {  	s9 =	sadd.s32 $0xFFFFFEF7, lr;
	s5 =	simm.s32 $0xFFFFFFFF;
	p2 =	slt.u32 s8, $0xFFFFF086  }
0x1c: {  	p1 =	slt.u32 s9, $0xF7A;
	s5 =	simm.s32 @!p2 $0x0  }
0x1d: {  	s5 =	simm.s32 @p1 $0x1;
	p0 =	seq.s32 s7, s2  }
0x1e: {  	s7 =	smul.u32 @!p0 $0xF7A, s2;
	p2 =	seq.s32 @!p0 s5, $0x0  }
0x1f: {  	s9 =	smul.u32 $0xF7A, s1;
	s8 =	simm.s32 @!p0 $0x1BF5;
	p2 =	por !p2, p0  }
0x20: {  	[sflag:s8] =	ssyncset.s32 @!p0 $0xFFFFF086;
	s6 =	sadd.s32 @!p0 s3, s7;
	s7 =	simm.s32 @!p0 $0x108  }
0x21: {  	s3 =	sadd.s32 s3, s9;
	s6 =	sadd.s32 @!p0 $0x88, s6;
	s7 =	simm.s32 @p2 $0x1082  }
0x22: {  	[simem:s7], [sflag:s8] =	dma.local @!p0 [hbm:s6], $0xF7A  }
0x23: {  	s9 =	sor.u32 $0xD0000000, s2;
	s6 =	simm.s32 $0x108;
	_ =	swait.ge @!p0 [sflag:s8], $0x0  }
0x24: {  	s3 =	sadd.s32 $0x88, s3;
	s6 =	simm.s32 @!p1 $0x1082;
	[sflag:s4] =	ssyncset.s32 $0xFFFFF086  }
0x25: {  	[simem:s6], [sflag:s4] =	dma.local [hbm:s3], $0xF7A  }
0x26: {  	[smem:$0x3F9A] =	sst s1;
	(tag) =	ssettag s2;
	_ =	strace s9  }
0x27: {  	s1 =	sld [smem:$0x3FAA]  }
0x28: {  	s2 =	sld [smem:$0x3FAB]  }
0x29: {  	s4 =	sld [smem:$0x3FAD]  }
0x2a: {  	p0 =	seq.s32 s5, $0x0;
	s5 =	sld [smem:$0x3FAE]  }
0x2b: {  	s6 =	sld [smem:$0x3FAF]  }
0x2c: {  	s7 =	sld [smem:$0x3FB0]  }
0x2d: {  	s3 =	simm.s32 $0x108;
	s8 =	sld [smem:$0x3FB1]  }
0x2e: {  	s3 =	simm.s32 @!p0 $0x1082;
	s9 =	sld [smem:$0x3FB2]  }
0x2f: {  	lr =	sadd.s32 s0, s3;
	s0 =	sld [smem:$0x3FA9]  }
0x30: {  	s3 =	sld [smem:$0x3FAC]  }
0x31: {  	[smem:$0x3FB5] =	sst s10  }
0x32: {  	s10 =	sld [smem:$0x3FB3];
	_ =	sdelay $0x3  }
0x33: {  	p0 =	seq.s32 s10, $0x1;
	s10 =	sld [smem:$0x3FB5];
	_ =	sdelay $0x3  }
0x34: {  	[smem:$0x3FB5] =	sst s10  }
0x35: {  	s10 =	sld [smem:$0x3FB4];
	_ =	sdelay $0x3  }
0x36: {  	p1 =	seq.s32 s10, $0x1;
	s10 =	sld [smem:$0x3FB5];
	_ =	sdelay $0x3  }
0x37: {  	[smem:$0x3FB5] =	sst s10  }
0x38: {  	s10 =	sld [smem:$0x3FB6]  }
0x39: {  	_ = 	snop;
	(pc) =	sbr.ind lr, $3  }
0x3a: {  	_ = 	snop  }
0x3b: {  	_ = 	snop  }
0x3c: {  	p2 =	seq.s32 s10, $0x1;
	s10 =	sld [smem:$0x3FB5]  }
0x3d: {  	_ =	shalt  }
0x3e: {  	_ =	shalt  }
0x3f: {  	_ =	shalt  }
0x40: {  	_ =	shalt  }
0x41: {  	_ =	shalt  }
0x42: {  	_ =	shalt  }
0x43: {  	_ =	shalt  }
0x44: {  	_ =	shalt  }
0x45: {  	_ =	shalt  }
0x46: {  	_ =	shalt  }
0x47: {  	_ =	shalt  }
0x48: {  	_ =	shalt  }
0x49: {  	_ =	shalt  }
0x4a: {  	_ =	shalt  }
0x4b: {  	_ =	shalt  }
0x4c: {  	_ =	shalt  }
0x4d: {  	_ =	shalt  }
0x4e: {  	_ =	shalt  }
0x4f: {  	_ =	shalt  }
0x50: {  	_ =	shalt  }
0x51: {  	_ =	shalt  }
0x52: {  	_ =	shalt  }
0x53: {  	_ =	shalt  }
0x54: {  	_ =	shalt  }
0x55: {  	_ =	shalt  }
0x56: {  	_ =	shalt  }
0x57: {  	_ =	shalt  }
0x58: {  	_ =	shalt  }
0x59: {  	_ =	shalt  }
0x5a: {  	_ =	shalt  }
0x5b: {  	_ =	shalt  }
0x5c: {  	_ =	shalt  }
0x5d: {  	_ =	shalt  }
0x5e: {  	_ =	shalt  }
0x5f: {  	_ =	shalt  }
0x60: {  	_ =	shalt  }
0x61: {  	_ =	shalt  }
0x62: {  	_ =	shalt  }
0x63: {  	_ =	shalt  }
0x64: {  	_ =	shalt  }
0x65: {  	_ =	shalt  }
0x66: {  	_ =	shalt  }
0x67: {  	_ =	shalt  }
0x68: {  	_ =	shalt  }
0x69: {  	_ =	shalt  }
0x6a: {  	_ =	shalt  }
0x6b: {  	_ =	shalt  }
0x6c: {  	_ =	shalt  }
0x6d: {  	_ =	shalt  }
0x6e: {  	_ =	shalt  }
0x6f: {  	_ =	shalt  }
0x70: {  	_ =	shalt  }
0x71: {  	_ =	shalt  }
0x72: {  	_ =	shalt  }
0x73: {  	_ =	shalt  }
0x74: {  	_ =	shalt  }
0x75: {  	_ =	shalt  }
0x76: {  	_ =	shalt  }
0x77: {  	_ =	shalt  }
0x78: {  	_ =	shalt  }
0x79: {  	_ =	shalt  }
0x7a: {  	_ =	shalt  }
0x7b: {  	_ =	shalt  }
0x7c: {  	_ =	shalt  }
0x7d: {  	_ =	shalt  }
0x7e: {  	_ =	shalt  }
0x7f: {  	_ =	shalt  }
0x80: {  	_ =	shalt  }
0x81: {  	_ =	shalt  }
0x82: {  	_ =	shalt  }
0x83: {  	_ =	shalt  }
0x84: {  	_ =	shalt  }
0x85: {  	_ =	shalt  }
0x86: {  	_ =	shalt  }
0x87: {  	_ =	shalt  }
.Lfunc_end0:
.L_simem_size_0:
called_computation_lowered:
.L_overlay_start_0:
0x88: {  	s2 =	sld [smem:$0x3FD9]  }
0x89: {  	s3 =	sld [smem:$0x3FFE];
	_ =	sdelay $0x1  }
0x8a: {  	s1 =	srdreg.scid  }
0x8b: {  	s0 =	sand.u32 $0x1, s1  }
0x8c: {  	s16 =	sshll.u32 s0, $0xA;
	s2 =	sadd.s32 s3, s2  }
0x8d: {  	s2 =	sadd.s32 s2, s16  }
0x8e: {  	[smem:$0x3FC1] =	sst s2  }
0x8f: {  	_ = 	snop  }
0x90: {  	(tm) =	ssettm $0x1  }
0x91: {  	s17 =	sld [smem:$0x3FFB];
	_ =	sdelay $0x3  }
0x92: {  	_ =	strace s17  }
0x93: {  	s2 =	sld [smem:$0x3FFC];
	_ =	sdelay $0x3  }
0x94: {  	_ =	strace s2  }
0x95: {  	s2 =	sld [smem:$0x3FFD];
	_ =	sdelay $0x3  }
0x96: {  	_ =	strace s2  }
0x97: {  	_ =	strace $0x8FFFFFFF  }
0x98: {  	s18 =	sld [smem:$0x3FDB];
	_ =	sdelay $0x1  }
0x99: {  	s19 =	simm.s32 $_scs_section_size  }
0x9a: {  	s4 =	simm.s32 $_size__tile_overlayer_lowered;
	s5 =	simm.s32 $_tile_overlayer_lowered  }
0x9b: {  	s22 =	simm.s32 $0x1BFF;
	s21 =	sshll.u32 s5, $0x1;
	s2 =	sadd.s32 s19, s18  }
0x9c: {  	s6 =	simm.s32 $0x0;
	s20 =	sshll.u32 s4, $0x1;
	s4 =	sadd.s32 s21, s2  }
0x9d: {  	[timem:s6], [sflag:s22] =	dma.local [hbm:s4], s20  }
0x9e: {  	_ =	swait.ge [sflag:s22], s20  }
0x9f: {  	s3 =	ssub.s32 $0x0, s20;
	[sflag:s22] =	ssyncset.done $0x0  }
0xa0: {  	[sflag:s22] =	ssyncadd.s32 s3;
	_ =	sdelay $0x1  }
0xa1: {  	s23 =	simm.s32 $0x1B8B  }
0xa2: {  	_ =	swait.ge [sflag:s23], $0x1  }
0xa3: {  	[sflag:s23] =	ssyncset.done $0x0  }
0xa4: {  	s25 =	simm.s32 $0x1B8E;
	s24 =	sld [smem:$0x3FFE];
	[sflag:s23] =	ssyncadd.s32 $0xFFFFFFFF  }
0xa5: {  	s26 =	simm.s32 $execute0_lowered;
	[smem:$0x3FD2] =	sst s25  }
0xa6: {  	s4 =	sshll.u32 s26, $0x1;
	_ =	strace $0x80000046;
	[dreg:$0x1] =	wrdreg $0xFFFFFFFF  }
0xa7: {  	s28 =	simm.s32 $_size_execute0_lowered;
	s2 =	sadd.s32 s2, s4;
	[dreg:$0x0] =	wrdreg $0x0  }
0xa8: {  	s4 =	sshll.u32 s28, $0x1;
	[dreg:$0x2] =	wrdreg s2  }
0xa9: {  	[dreg:$0x3] =	wrdreg s4  }
0xaa: {  	[dreg:$0x4] =	wrdreg $0xC0  }
0xab: {  	_ =	task [dreg:s6], $0x5FFFF  }
0xac: {  	[dreg:$0x1] =	wrdreg $0xFFFFFFFF  }
0xad: {  	[dreg:$0x0] =	wrdreg $0x60  }
0xae: {  	[dreg:$0x2] =	wrdreg s24  }
0xaf: {  	[dreg:$0x3] =	wrdreg $0x40800  }
0xb0: {  	[dreg:$0x4] =	wrdreg $0x9  }
0xb1: {  	_ =	task.clear_ibuf [dreg:s6], $0x5FFFF;
	_ =	strace $0x90000046  }
0xb2: {  	s29 =	simm.s32 $0x9;
	_ =	strace $0x80000048  }
0xb3: {  	_ =	swait.ge [sflag:s29], $0x1  }
0xb4: {  	[sflag:s29] =	ssyncadd.s32 $0xFFFFFFFF  }
0xb5: {  	_ =	strace $0x90000048  }
0xb6: {  	_ =	sfence  }
0xb7: {  	s30 =	sld [smem:$0x0];
	_ =	sdelay $0x2  }
0xb8: {  	s31 =	sshll.u32 s1, $0xD;
	s1 =	sshrl.u32 s1, $0x2  }
0xb9: {  	s3 =	sand.u32 $0x4000, s31;
	s1 =	sadd.s32 s1, s30  }
0xba: {  	s0 =	sor.u32 s3, s0;
	s1 =	sshll.u32 s1, $0x11  }
0xbb: {  	s0 =	sor.u32 s1, s0  }
0xbc: {  	s0 =	sadd.s32 $0x8F2B, s0  }
0xbd: {  	[sflag:s0] =	ssyncadd.remote.s32 $0x1  }
0xbe: {  	_ =	sfence.sel $0xFFFF  }
0xbf: {  	[dreg:$0x0] =	wrdreg $0xFFFFFFFF;
	(pc) =	sbr.abs _section_cstart, $3  }
0xc0: {  	[dreg:$0x1] =	wrdreg $0xFFFFFFFF  }
0xc1: {  	_ =	task.clear_ibuf [dreg:s6], $0x2FFFF;
	_ =	strace $0x9FFFFFFF  }
0xc2: {  	(tm) =	ssettm $0x7FFFFFFF  }
0xc3: {  	_ =	shalt  }
tec
execute0_lowered:
.L_overlay_start_1:
0x0: {  	(tag) =	ssettag $0x1  }
0x1: {  	s4 =	rddreg [dreg:$0x0]  }
0x2: {  	s2 =	rddreg [dreg:$0x1];
	s1 =	stileid.u32  }
0x3: {  	s0 =	rddreg [dreg:$0x2];
	s5 =	smul.u32 $0xA00, s1  }
0x4: {  	s6 =	srdreg.scid;
	s3 =	simm.s32 $0x0;
	s28 =	smul.u32 $0x280, s1  }
0x5: {  	s16 =	simm.s32 $0x80;
	s8 =	sand.u32 $0x1, s6;
	s10 =	smul.u32 $0x50000, s1  }
0x6: {  	s17 =	simm.s32 $0x1;
	s18 =	simm.s32 $0x0;
	s7 =	smul.u32 $0x2800, s8  }
0x7: {  	[smem:$0x7FF] =	sst s3;
	s9 =	ssub.s32 $0x2, s8;
	s15 =	smul.u32 $0x500, s8  }
0x8: {  	_ =	strace $0x80000047;
	s13 =	sadd.s32 s5, s4;
	s30 =	sshrl.u32 s9, $0x1  }
0x9: {  	s31 =	sshrl.u32 s10, $0x2;
	s29 =	sadd.s32 s7, s28;
	s15 =	sadd.s32 s15, s13  }
0xa: {  	s6 =	ssub.s32 s9, s30;
	s5 =	sshll.u32 s29, $0x4;
	s15 =	sadd.s32 $0x3E00, s15  }
0xb: {  	s14 =	sadd.s32 s5, s4;
	s4 =	sadd.s32 s31, s2;
	s5 =	smax.u32 s6, $0x1  }
0xc: {  	s6 =	sadd.s32 $0x4000, s4;
	s7 =	sadd.s32 $0x8000, s4;
	s8 =	sadd.s32 $0xC000, s4  }
0xd: {  	s9 =	sadd.s32 $0x10000, s4;
	s10 =	sadd.s32 $0xDE00, s14;
	s11 =	sadd.s32 $0xE600, s14  }
0xe: {  	v0 =	vimm.f32 $0.0e+00;
	v1 =	vimm.f32 $1.000000000e+00;
	s12 =	sadd.s32 $0xEE00, s14;
	s13 =	sadd.s32 $0xF600, s14;
	s14 =	sadd.s32 $0xFE00, s14  }
.LBB2_1:
0xf: {  	s19 =	simm.s32 $0x0;
	s20 =	simm.s32 $0x200  }
.LBB2_2:
0x10: {  	p0 =	sne.s32 s20, $0xFE00;
	[tilespmem:s19+$0xF0] =	vst v0  }
0x11: {  	[tilespmem:s19+$0x80] =	vst v0  }
0x12: {  	[tilespmem:s19+$0x90] =	vst v0  }
.Ltmp0:
0x13: {  	[tilespmem:s19+$0xA0] =	vst v0;
	(pc) =	sbr.rel @p0 .LBB2_2-.Ltmp0, $4  }
0x14: {  	[tilespmem:s19+$0xB0] =	vst v0  }
0x15: {  	[tilespmem:s19+$0xC0] =	vst v0  }
0x16: {  	[tilespmem:s19+$0xD0] =	vst v0  }
0x17: {  	[tilespmem:s19+$0xE0] =	vst v0;
	s19 =	sshra.s32 s20, $0x2;
	s20 =	sadd.s32 $0x200, s20  }
0x18: {  	[tilespmem:s19+$0xF0] =	vst v0  }
0x19: {  	[tilespmem:s19+$0x80] =	vst v0  }
0x1a: {  	[tilespmem:s19+$0x90] =	vst v0  }
0x1b: {  	[tilespmem:s19+$0xA0] =	vst v0  }
0x1c: {  	[tilespmem:s19+$0xB0] =	vst v0  }
0x1d: {  	[tilespmem:s19+$0xC0] =	vst v0  }
0x1e: {  	[tilespmem:s19+$0xD0] =	vst v0  }
0x1f: {  	[tilespmem:s19+$0xE0] =	vst v0  }
0x20: {  	[spmem:s4] =	stream.linear.scatter [tilespmem:s16], [sflag:$0x1], $0x4000, $0x38;
	[tilespmem:$0x18080] =	vst v63  }
0x21: {  	_ =	swait.ge [sflag:s17], $0x4000  }
0x22: {  	[sflag:s17] =	ssyncset.done $0x0  }
0x23: {  	[sflag:s17] =	ssyncadd.s32 $0xFFFFC000  }
0x24: {  	[spmem:s6] =	stream.linear.scatter [tilespmem:s16], [sflag:$0x1], $0x4000, $0x38;
	[tilespmem:$0x18080] =	vst v63  }
0x25: {  	_ =	swait.ge [sflag:s17], $0x4000  }
0x26: {  	[sflag:s17] =	ssyncset.done $0x0  }
0x27: {  	[sflag:s17] =	ssyncadd.s32 $0xFFFFC000  }
0x28: {  	[spmem:s7] =	stream.linear.scatter [tilespmem:s16], [sflag:$0x1], $0x4000, $0x38;
	[tilespmem:$0x18080] =	vst v63  }
0x29: {  	_ =	swait.ge [sflag:s17], $0x4000  }
0x2a: {  	[sflag:s17] =	ssyncset.done $0x0  }
0x2b: {  	[sflag:s17] =	ssyncadd.s32 $0xFFFFC000  }
0x2c: {  	[spmem:s8] =	stream.linear.scatter [tilespmem:s16], [sflag:$0x1], $0x4000, $0x38;
	[tilespmem:$0x18080] =	vst v63  }
0x2d: {  	_ =	swait.ge [sflag:s17], $0x4000  }
0x2e: {  	[sflag:s17] =	ssyncset.done $0x0  }
0x2f: {  	[sflag:s17] =	ssyncadd.s32 $0xFFFFC000  }
0x30: {  	[spmem:s9] =	stream.linear.scatter [tilespmem:s16], [sflag:$0x1], $0x4000, $0x38;
	[tilespmem:$0x18080] =	vst v63  }
0x31: {  	_ =	swait.ge [sflag:s17], $0x4000  }
0x32: {  	[sflag:s17] =	ssyncset.done $0x0  }
0x33: {  	s19 =	simm.s32 $0x0;
	s20 =	simm.s32 $0x200;
	[sflag:s17] =	ssyncadd.s32 $0xFFFFC000  }
.LBB2_4:
0x34: {  	p0 =	sne.s32 s20, $0xFE00;
	[tilespmem:s19+$0xF0] =	vst v1  }
0x35: {  	[tilespmem:s19+$0x80] =	vst v1  }
0x36: {  	[tilespmem:s19+$0x90] =	vst v1  }
.Ltmp1:
0x37: {  	[tilespmem:s19+$0xA0] =	vst v1;
	(pc) =	sbr.rel @p0 .LBB2_4-.Ltmp1, $4  }
0x38: {  	[tilespmem:s19+$0xB0] =	vst v1  }
0x39: {  	[tilespmem:s19+$0xC0] =	vst v1  }
0x3a: {  	[tilespmem:s19+$0xD0] =	vst v1  }
0x3b: {  	[tilespmem:s19+$0xE0] =	vst v1;
	s19 =	sshra.s32 s20, $0x2;
	s20 =	sadd.s32 $0x200, s20  }
0x3c: {  	[tilespmem:s19+$0xF0] =	vst v1  }
0x3d: {  	[tilespmem:s19+$0x80] =	vst v1  }
0x3e: {  	[tilespmem:s19+$0x90] =	vst v1  }
0x3f: {  	[tilespmem:s19+$0xA0] =	vst v1  }
0x40: {  	[tilespmem:s19+$0xB0] =	vst v1  }
0x41: {  	[tilespmem:s19+$0xC0] =	vst v1  }
0x42: {  	[tilespmem:s19+$0xD0] =	vst v1  }
0x43: {  	[tilespmem:s19+$0xE0] =	vst v1  }
0x44: {  	s31 =	sadd.s32 $0x0, s15;
	[bflag:$0x0] =	sbarrier.arrive $0xFFFF  }
0x45: {  	[tilespmem:s3], [sflag:$0x1] =	stream.linear.gather [hbm4b:s31+s3], $0x80, $0x38;
	[tilespmem:$0x18080] =	vst v63  }
0x46: {  	_ =	swait.ge [sflag:s17], $0x80  }
0x47: {  	[sflag:s17] =	ssyncset.done $0x0  }
0x48: {  	[sflag:s17] =	ssyncadd.s32 $0xFFFFFF80  }
0x49: {  	[spmem:s2] =	stream.indirect.scatter.add.f32 [tilespmem:s16], [sflag:$0x1], $0x80, s3, s16, $0xb8;
	[tilespmem:$0x18080] =	vst v63  }
0x4a: {  	_ =	swait.ge [sflag:s17], $0x4000  }
0x4b: {  	s19 =	simm.s32 $0x10;
	s20 =	simm.s32 $0x20;
	[sflag:s17] =	ssyncset.done $0x0  }
.LBB2_6:
0x4c: {  	s21 =	sadd.s32 s19, s15  }
0x4d: {  	[sflag:s17] =	ssyncadd.s32 $0xFFFFC000;
	s19 =	smov.u32 s20;
	s22 =	sadd.s32 $0x10, s20  }
0x4e: {  	[tilespmem:s3], [sflag:$0x1] =	stream.linear.gather [hbm4b:s21+s3], $0x80, $0x38;
	[tilespmem:$0x18080] =	vst v63  }
0x4f: {  	p0 =	sne.s32 s20, $0x4F0;
	_ =	swait.ge [sflag:s17], $0x80  }
.Ltmp2:
0x50: {  	[sflag:s17] =	ssyncset.done $0x0;
	(pc) =	sbr.rel @p0 .LBB2_6-.Ltmp2, $4  }
0x51: {  	[sflag:s17] =	ssyncadd.s32 $0xFFFFFF80  }
0x52: {  	[spmem:s2] =	stream.indirect.scatter.add.f32 [tilespmem:s16], [sflag:$0x1], $0x80, s3, s16, $0xb8;
	[tilespmem:$0x18080] =	vst v63  }
0x53: {  	_ =	swait.ge [sflag:s17], $0x4000  }
0x54: {  	s20 =	smov.u32 s22;
	[sflag:s17] =	ssyncset.done $0x0  }
0x55: {  	s19 =	sadd.s32 s19, s15;
	[sflag:s17] =	ssyncadd.s32 $0xFFFFC000  }
0x56: {  	[tilespmem:s3], [sflag:$0x1] =	stream.linear.gather [hbm4b:s19+s3], $0x80, $0x38;
	[tilespmem:$0x18080] =	vst v63  }
0x57: {  	_ =	swait.ge [sflag:s17], $0x80  }
0x58: {  	[sflag:s17] =	ssyncset.done $0x0  }
0x59: {  	[sflag:s17] =	ssyncadd.s32 $0xFFFFFF80  }
0x5a: {  	[spmem:s2] =	stream.indirect.scatter.add.f32 [tilespmem:s16], [sflag:$0x1], $0x80, s3, s16, $0xb8;
	[tilespmem:$0x18080] =	vst v63  }
0x5b: {  	_ =	swait.ge [sflag:s17], $0x4000  }
0x5c: {  	[sflag:s17] =	ssyncset.done $0x0  }
0x5d: {  	[sflag:s17] =	ssyncadd.s32 $0xFFFFC000  }
0x5e: {  	[bflag:$0x0] =	sbarrier.arrive $0xFFFF  }
0x5f: {  	[tilespmem:s16], [sflag:$0x1] =	stream.linear.gather [spmem:s4], $0x4000, $0x38;
	[tilespmem:$0x18080] =	vst v63  }
0x60: {  	_ =	swait.ge [sflag:s17], $0x4000  }
0x61: {  	[sflag:s17] =	ssyncset.done $0x0  }
0x62: {  	[sflag:s17] =	ssyncadd.s32 $0xFFFFC000  }
0x63: {  	[hbm4b:s10+s3] =	stream.linear.scatter [tilespmem:s16], [sflag:$0x1], $0x4000, $0x38;
	[tilespmem:$0x18080] =	vst v63  }
0x64: {  	_ =	swait.ge [sflag:s17], $0x4000  }
0x65: {  	[sflag:s17] =	ssyncset.done $0x0  }
0x66: {  	[sflag:s17] =	ssyncadd.s32 $0xFFFFC000  }
0x67: {  	[tilespmem:s16], [sflag:$0x1] =	stream.linear.gather [spmem:s6], $0x4000, $0x38;
	[tilespmem:$0x18080] =	vst v63  }
0x68: {  	_ =	swait.ge [sflag:s17], $0x4000  }
0x69: {  	[sflag:s17] =	ssyncset.done $0x0  }
0x6a: {  	[sflag:s17] =	ssyncadd.s32 $0xFFFFC000  }
0x6b: {  	[hbm4b:s11+s3] =	stream.linear.scatter [tilespmem:s16], [sflag:$0x1], $0x4000, $0x38;
	[tilespmem:$0x18080] =	vst v63  }
0x6c: {  	_ =	swait.ge [sflag:s17], $0x4000  }
0x6d: {  	[sflag:s17] =	ssyncset.done $0x0  }
0x6e: {  	[sflag:s17] =	ssyncadd.s32 $0xFFFFC000  }
0x6f: {  	[tilespmem:s16], [sflag:$0x1] =	stream.linear.gather [spmem:s7], $0x4000, $0x38;
	[tilespmem:$0x18080] =	vst v63  }
0x70: {  	_ =	swait.ge [sflag:s17], $0x4000  }
0x71: {  	[sflag:s17] =	ssyncset.done $0x0  }
0x72: {  	[sflag:s17] =	ssyncadd.s32 $0xFFFFC000  }
0x73: {  	[hbm4b:s12+s3] =	stream.linear.scatter [tilespmem:s16], [sflag:$0x1], $0x4000, $0x38;
	[tilespmem:$0x18080] =	vst v63  }
0x74: {  	_ =	swait.ge [sflag:s17], $0x4000  }
0x75: {  	[sflag:s17] =	ssyncset.done $0x0  }
0x76: {  	[sflag:s17] =	ssyncadd.s32 $0xFFFFC000  }
0x77: {  	[tilespmem:s16], [sflag:$0x1] =	stream.linear.gather [spmem:s8], $0x4000, $0x38;
	[tilespmem:$0x18080] =	vst v63  }
0x78: {  	_ =	swait.ge [sflag:s17], $0x4000  }
0x79: {  	[sflag:s17] =	ssyncset.done $0x0  }
0x7a: {  	[sflag:s17] =	ssyncadd.s32 $0xFFFFC000  }
0x7b: {  	[hbm4b:s13+s3] =	stream.linear.scatter [tilespmem:s16], [sflag:$0x1], $0x4000, $0x38;
	[tilespmem:$0x18080] =	vst v63  }
0x7c: {  	_ =	swait.ge [sflag:s17], $0x4000  }
0x7d: {  	[sflag:s17] =	ssyncset.done $0x0  }
0x7e: {  	[sflag:s17] =	ssyncadd.s32 $0xFFFFC000  }
0x7f: {  	[tilespmem:s16], [sflag:$0x1] =	stream.linear.gather [spmem:s9], $0x4000, $0x38;
	[tilespmem:$0x18080] =	vst v63  }
0x80: {  	s18 =	sadd.s32 $0x1, s18;
	_ =	swait.ge [sflag:s17], $0x4000  }
0x81: {  	p0 =	sne.s32 s18, s5;
	[sflag:s17] =	ssyncset.done $0x0  }
.Ltmp3:
0x82: {  	[sflag:s17] =	ssyncadd.s32 $0xFFFFC000;
	(pc) =	sbr.rel @p0 .LBB2_1-.Ltmp3, $4  }
0x83: {  	[hbm4b:s14+s3] =	stream.linear.scatter [tilespmem:s16], [sflag:$0x1], $0x4000, $0x38;
	[tilespmem:$0x18080] =	vst v63  }
0x84: {  	_ =	swait.ge [sflag:s17], $0x4000  }
0x85: {  	[sflag:s17] =	ssyncset.done $0x0  }
0x86: {  	[sflag:s17] =	ssyncadd.s32 $0xFFFFC000  }
0x87: {  	_ =	sfence.sel $0x180000  }
0x88: {  	[bflag:$0x0] =	sbarrier.arrive $0xFFFF  }
0x89: {  	p0 =	sne.s32 s1, $0x0;
	_ =	strace $0x90000047  }
0x8a: {  	s0 =	sadd.s32 @!p0 $0x100000, s0;
	[bflag:$0x2] =	sbarrier.arrive $0xFFFF  }
0x8b: {  	[sflag:s0] =	ssyncadd.tile.s32 @!p0 $0x1;
	_ =	shalt  }
.Lfunc_end2:
_tile_overlayer_lowered:
.L_overlay_start_2:
0x8c: {  	(tag) =	ssettag $0x2  }
0x8d: {  	s0 =	rddreg [dreg:$0x0];
	s2 =	stileid.u32  }
0x8e: {  	s1 =	rddreg [dreg:$0x1];
	p0 =	sne.s32 s2, $0x0  }
0x8f: {  	s3 =	rddreg [dreg:$0x2];
	[bflag:$0x3] =	sbarrier.arrive $0xFFFF;
	s2 =	simm.s32 @!p0 $0x1C01  }
0x90: {  	[timem:s3], [sflag:s2] =	dma.local @!p0 [hbm:s0], s1  }
0x91: {  	s0 =	simm.s32 @!p0 $0x1  }
0x92: {  	_ =	swait.ge @!p0 [sflag:s0], s1  }
0x93: {  	s1 =	ssub.s32 @!p0 $0x0, s1;
	[sflag:s0] =	ssyncset.done @!p0 $0x0  }
0x94: {  	[sflag:s0] =	ssyncadd.s32 @!p0 s1  }
0x95: {  	[bflag:$0x3] =	sbarrier.arrive $0xFFFF  }
0x96: {  	_ =	shalt  }

</sc_bundles>
